<compile_context>
chip_gen: v7x
topology: tpu7x:2x2x1
jax: 0.10.2.dev20260603
libtpu: 0.0.44.dev20260713+nightly
codegen_flags: <defaults>
</compile_context>

<pallas_src>
import functools

import jax
import jax.numpy as jnp
from jax import lax
from jax.experimental import pallas as pl
from jax.experimental.pallas import tpu as pltpu
from jax.experimental.pallas import tpu_sc as plsc

N_ATOMS = 100000
N_PAIRS = 6400000
CUTOFF = 5.0

TC_GRID = 10
TC_BLOCK = N_PAIRS // TC_GRID

SC_INFO = plsc.get_sparse_core_info()
NUM_CORES = SC_INFO.num_cores
NUM_SUBCORES = SC_INFO.num_subcores
NUM_WORKERS = NUM_CORES * NUM_SUBCORES
PAIR_TILE = 128
N_TILES = N_PAIRS // PAIR_TILE
TILES_PER_CHUNK = 40
CHUNK = TILES_PER_CHUNK * PAIR_TILE
TILES_LO = N_TILES // NUM_WORKERS
TILES_EXTRA = N_TILES % NUM_WORKERS
NUM_CHUNKS = 40


def _chi(d):
    r2 = d * d
    v = (jnp.pi / CUTOFF) * (jnp.pi / CUTOFF) * r2
    c = 0.99999528 + v * (-0.49993092 + v * (0.04151173 + v * (-0.00127871)))
    phi = jnp.where(d < 0.5 * CUTOFF, c * c, 0.0)
    inv_d = lax.rsqrt(r2)
    return inv_d + phi * (lax.rsqrt(r2 + 1.0) - inv_d)


def _sum_body(d_ref, chi_ref, s_ref, acc_ref):
    chi = _chi(d_ref[...])
    chi_ref[...] = chi
    i = pl.program_id(0)

    @pl.when(i == 0)
    def _():
        acc_ref[...] = chi

    @pl.when(i > 0)
    def _():
        acc_ref[...] = acc_ref[...] + chi

    @pl.when(i == pl.num_programs(0) - 1)
    def _():
        s_ref[0] = jnp.sum(acc_ref[...])


_chi_sum = pl.pallas_call(
    _sum_body,
    grid=(TC_GRID,),
    in_specs=[pl.BlockSpec((TC_BLOCK,), lambda i: (i,))],
    out_specs=[
        pl.BlockSpec((TC_BLOCK,), lambda i: (i,)),
        pl.BlockSpec(memory_space=pltpu.SMEM),
    ],
    out_shape=[
        jax.ShapeDtypeStruct((N_PAIRS,), jnp.float32),
        jax.ShapeDtypeStruct((1,), jnp.float32),
    ],
    scratch_shapes=[pltpu.VMEM((TC_BLOCK,), jnp.float32)],
)


def _combine_body(s_ref, qq_ref, chi_ref, out_ref):
    s = s_ref[0]
    out_ref[...] = qq_ref[...] * (s - chi_ref[...])


_combine = pl.pallas_call(
    _combine_body,
    grid=(TC_GRID,),
    in_specs=[
        pl.BlockSpec(memory_space=pltpu.SMEM),
        pl.BlockSpec((TC_BLOCK,), lambda i: (i,)),
        pl.BlockSpec((TC_BLOCK,), lambda i: (i,)),
    ],
    out_specs=pl.BlockSpec((TC_BLOCK,), lambda i: (i,)),
    out_shape=jax.ShapeDtypeStruct((N_PAIRS,), jnp.float32),
)


def _sc_body(charge_hbm, idx_hbm, qq_hbm, table_v, ij_v, out_v,
             si0, si1, so0, so1):
    wid = lax.axis_index("s") * NUM_CORES + lax.axis_index("c")
    t0 = wid * TILES_LO + jnp.minimum(wid, TILES_EXTRA)
    ntiles = TILES_LO + jnp.where(wid < TILES_EXTRA, 1, 0)
    sin = (si0, si1)
    sout = (so0, so1)

    def base_of(ci):
        tstart = t0 + jnp.minimum(ci * TILES_PER_CHUNK, ntiles - TILES_PER_CHUNK)
        return pl.multiple_of(tstart * PAIR_TILE, PAIR_TILE)

    def in_copy(ci, b):
        return pltpu.make_async_copy(
            idx_hbm.at[:, pl.ds(base_of(ci), CHUNK)], ij_v.at[b], sin[b])

    def out_copy(ci, b):
        return pltpu.make_async_copy(
            out_v.at[b], qq_hbm.at[pl.ds(base_of(ci), CHUNK)], sout[b])

    in_copy(0, 0).start()
    pltpu.sync_copy(charge_hbm, table_v)

    def group(g, carry):
        for b in (0, 1):
            c = 2 * g + b
            nb = 1 - b

            @pl.when(c + 1 < NUM_CHUNKS)
            def _():
                in_copy(c + 1, nb).start()

            in_copy(c, b).wait()

            @pl.when(c >= 2)
            def _():
                out_copy(c - 2, b).wait()

            @plsc.parallel_loop(0, CHUNK, step=16, unroll=16)
            def _(o):
                qi = plsc.load_gather(table_v, [ij_v[b, 0, pl.ds(o, 16)]])
                qj = plsc.load_gather(table_v, [ij_v[b, 1, pl.ds(o, 16)]])
                out_v[b, pl.ds(o, 16)] = qi * qj

            out_copy(c, b).start()
        return carry

    lax.fori_loop(0, NUM_CHUNKS // 2, group, 0)
    out_copy(NUM_CHUNKS - 2, 0).wait()
    out_copy(NUM_CHUNKS - 1, 1).wait()


_sc_qq = functools.partial(
    pl.kernel,
    out_type=jax.ShapeDtypeStruct((N_PAIRS,), jnp.float32),
    mesh=plsc.VectorSubcoreMesh(core_axis_name="c", subcore_axis_name="s"),
    compiler_params=pltpu.CompilerParams(needs_layout_passes=False),
    scratch_types=[
        pltpu.VMEM((N_ATOMS,), jnp.float32),
        pltpu.VMEM((2, 2, CHUNK), jnp.int32),
        pltpu.VMEM((2, CHUNK), jnp.float32),
        pltpu.SemaphoreType.DMA,
        pltpu.SemaphoreType.DMA,
        pltpu.SemaphoreType.DMA,
        pltpu.SemaphoreType.DMA,
    ],
)(_sc_body)


def kernel(per_atom_charge, atomic_subsystem_indices, pair_indices, d_ij):
    del atomic_subsystem_indices
    charge = per_atom_charge.reshape(-1)
    idx = pair_indices.astype(jnp.int32)
    qq = _sc_qq(charge, idx)
    chi, s = _chi_sum(d_ij)
    return _combine(s, qq, chi)

# --- scband reference (transcript-rebuilt; emitter-appended) ---
"""Pipeline reference for scband-long-range-electrostatic-energy-80865644249236 (READ-ONLY COPY).

The authoritative reference and input builder live on the scoring server;
editing this copy changes nothing except your own understanding.
"""

import jax, jax.numpy as jnp
import numpy as np

CUTOFF = 5.0
N_ATOMS = 100000
N_PAIRS = 6400000
N_MOLS = 64


def cosine_attenuation(d, cutoff=CUTOFF):
    # PhysNet-style cosine cutoff function: phi(d) = 0.5*(cos(pi*d/cutoff)+1) for d < cutoff, else 0
    return jnp.where(d < cutoff, 0.5 * (jnp.cos(jnp.pi * d / cutoff) + 1.0), 0.0)


def setup_inputs(seed: int = 0) -> dict:
    key = jax.random.key(seed)
    k1, k2, k3, k4 = jax.random.split(key, 4)
    per_atom_charge = jax.random.normal(k1, (N_ATOMS, 1), dtype=jnp.float32)
    atomic_subsystem_indices = jnp.sort(jax.random.randint(k2, (N_ATOMS,), 0, N_MOLS, dtype=jnp.int64))
    pair_indices = jax.random.randint(k3, (2, N_PAIRS), 0, N_ATOMS, dtype=jnp.int64)
    # distances strictly positive to avoid 1/r singularity; range spans both sides of the cutoff
    d_ij = jax.random.uniform(k4, (N_PAIRS,), dtype=jnp.float32, minval=0.5, maxval=6.0)
    return {
        "per_atom_charge": per_atom_charge,
        "atomic_subsystem_indices": atomic_subsystem_indices,
        "pair_indices": pair_indices,
        "d_ij": d_ij,
    }


def reference(per_atom_charge, atomic_subsystem_indices, pair_indices, d_ij):
    idx_i = pair_indices[0]
    idx_j = pair_indices[1]
    phi_2r = cosine_attenuation(2.0 * d_ij)  # [P]
    chi_r = phi_2r * (1.0 / jnp.sqrt(d_ij ** 2 + 1.0)) + (1.0 - phi_2r) * (1.0 / d_ij)  # [P]
    # gathers over 6.4M pairs
    q_i = jnp.take(per_atom_charge, idx_i, axis=0)  # [P, 1]
    q_j = jnp.take(per_atom_charge, idx_j, axis=0)  # [P, 1]
    qq = (q_i * q_j)[:, 0]  # [P]
    # torch code: outer[a,b] = qq[a] * chi_r[b]; diagonal zeroed via eye mask; sum over dim=1.
    # Algebraically identical closed form (same math, avoids materializing [P,P]):
    # out[a] = qq[a] * (sum_b chi_r[b] - chi_r[a])
    S = jnp.sum(chi_r)
    per_atom_electrostatic_energy = qq * (S - chi_r)  # [P]
    return per_atom_electrostatic_energy

if __name__ == "__main__":
    import jax
    _d = setup_inputs()
    print(jax.jit(kernel)(*tuple(_d.values())))

</pallas_src>

<mosaic_0001>
#map = affine_map<(d0, d1) -> (0)>
#map1 = affine_map<(d0, d1) -> (0, 0)>
module attributes {stable_mosaic.version = 14 : i64} {
  func.func @_sc_body(%arg0: i32, %arg1: i32, %arg2: memref<100000xf32, #tpu.memory_space<hbm>>, %arg3: memref<2x6400000xi32, #tpu.memory_space<hbm>>, %arg4: memref<6400000xf32, #tpu.memory_space<hbm>>, %arg5: memref<100000xf32, #tpu.memory_space<vmem>>, %arg6: memref<2x2x5120xi32, #tpu.memory_space<vmem>>, %arg7: memref<2x5120xf32, #tpu.memory_space<vmem>>, %arg8: memref<!tpu.dma_semaphore, #tpu.memory_space<semaphore_mem>>, %arg9: memref<!tpu.dma_semaphore, #tpu.memory_space<semaphore_mem>>, %arg10: memref<!tpu.dma_semaphore, #tpu.memory_space<semaphore_mem>>, %arg11: memref<!tpu.dma_semaphore, #tpu.memory_space<semaphore_mem>>) attributes {dimension_semantics = [#tpu.dimension_semantics<core_parallel>, #tpu.dimension_semantics<subcore_parallel>], iteration_bounds = array<i64: 2, 16>, scalar_prefetch = 0 : i64, scratch_operands = 7 : i64, tpu.core_type = #tpu.core_type<sc_vector_subcore>, window_params = [{transform_indices = #map}, {transform_indices = #map1}, {transform_indices = #map}]} {
    %mul3A = arith.constant 2 : i32
    %mul3A_0 = arith.muli %arg1, %mul3A : i32
    %add3A = arith.addi %mul3A_0, %arg0 : i32
    %mul3A_1 = arith.constant 1562 : i32
    %mul3A_2 = arith.muli %add3A, %mul3A_1 : i32
    %min3A = arith.constant 16 : i32
    %min3A_3 = arith.minsi %add3A, %min3A : i32
    %add3A_4 = arith.addi %mul3A_2, %min3A_3 : i32
    %lt3A = arith.constant 16 : i32
    %lt3A_5 = arith.cmpi slt, %add3A, %lt3A : i32
    %jit3A = arith.constant 1 : i32
    %jit3A_6 = arith.constant 0 : i32
    %select_n3A = arith.select %lt3A_5, %jit3A, %jit3A_6 : i32
    %add3A_7 = arith.constant 1562 : i32
    %add3A_8 = arith.addi %add3A_7, %select_n3A : i32
    %sub3A = arith.constant 40 : i32
    %sub3A_9 = arith.subi %add3A_8, %sub3A : i32
    %min3A_10 = arith.constant 0 : i32
    %min3A_11 = arith.minsi %min3A_10, %sub3A_9 : i32
    %add3A_12 = arith.addi %add3A_4, %min3A_11 : i32
    %mul3A_13 = arith.constant 128 : i32
    %mul3A_14 = arith.muli %add3A_12, %mul3A_13 : i32
    %multiple_of3A = tpu.assume_multiple %mul3A_14, 128 : i32
    %dma_start3A = arith.constant 0 : i32
    %dma_start3A_15 = arith.constant 0 : i32
    %dma_start3A_16 = arith.constant 0 : i32
    %dma_start3A_17 = tpu.memref_slice %arg6[%dma_start3A, %dma_start3A_15, %dma_start3A_16] : memref<2x2x5120xi32, #tpu.memory_space<vmem>> -> memref<1x2x5120xi32, #tpu.memory_space<vmem>>
    %dma_start3A_18 = tpu.memref_squeeze %dma_start3A_17 : memref<1x2x5120xi32, #tpu.memory_space<vmem>> -> memref<2x5120xi32, #tpu.memory_space<vmem>>
    %dma_start3A_19 = arith.constant 0 : i32
    %dma_start3A_20 = tpu.memref_slice %arg3[%dma_start3A_19, %multiple_of3A] : memref<2x6400000xi32, #tpu.memory_space<hbm>> -> memref<2x5120xi32, #tpu.memory_space<hbm>>
    %dma_start3A_21 = arith.constant 0 : i32
    %dma_start3A_22 = arith.constant 0 : i32
    %dma_start3A_23 = tpu.memref_slice %arg6[%dma_start3A, %dma_start3A_21, %dma_start3A_22] : memref<2x2x5120xi32, #tpu.memory_space<vmem>> -> memref<1x2x5120xi32, #tpu.memory_space<vmem>>
    %dma_start3A_24 = tpu.memref_squeeze %dma_start3A_23 : memref<1x2x5120xi32, #tpu.memory_space<vmem>> -> memref<2x5120xi32, #tpu.memory_space<vmem>>
    %dma_start3A_25 = arith.constant 0 : i32
    %dma_start3A_26 = tpu.memref_slice %arg3[%dma_start3A_25, %multiple_of3A] : memref<2x6400000xi32, #tpu.memory_space<hbm>> -> memref<2x5120xi32, #tpu.memory_space<hbm>>
    tpu.enqueue_dma source(%dma_start3A_26 : memref<2x5120xi32, #tpu.memory_space<hbm>>) target(%dma_start3A_24 : memref<2x5120xi32, #tpu.memory_space<vmem>>) target_semaphore(%arg8 : memref<!tpu.dma_semaphore, #tpu.memory_space<semaphore_mem>>)
    "tpu.region"() ({
      %run_scoped3A = tpu.sem_alloc : memref<!tpu.dma_semaphore, #tpu.memory_space<semaphore_mem>>
      tpu.enqueue_dma source(%arg2 : memref<100000xf32, #tpu.memory_space<hbm>>) target(%arg5 : memref<100000xf32, #tpu.memory_space<vmem>>) target_semaphore(%run_scoped3A : memref<!tpu.dma_semaphore, #tpu.memory_space<semaphore_mem>>)
      tpu.wait_dma2 semaphore(%run_scoped3A : memref<!tpu.dma_semaphore, #tpu.memory_space<semaphore_mem>>) src(%arg2 : memref<100000xf32, #tpu.memory_space<hbm>>) dst(%arg5 : memref<100000xf32, #tpu.memory_space<vmem>>)
      tpu.yield
    }) : () -> ()
    %scan3A = arith.constant 0 : i32
    %scan3A_27 = arith.constant 0 : i32
    %scan3A_28 = arith.constant 20 : i32
    %scan3A_29 = arith.addi %scan3A_27, %scan3A_28 : i32
    %scan3A_30 = arith.constant 1 : i32
    scf.for %scan3A_65 = %scan3A_27 to %scan3A_29 step %scan3A_30  : i32 {
      %mul3A_66 = arith.constant 2 : i32
      %mul3A_67 = arith.muli %mul3A_66, %scan3A_65 : i32
      %add3A_68 = arith.constant 0 : i32
      %add3A_69 = arith.addi %mul3A_67, %add3A_68 : i32
      %add3A_70 = arith.constant 1 : i32
      %add3A_71 = arith.addi %add3A_69, %add3A_70 : i32
      %lt3A_72 = arith.constant 40 : i32
      %lt3A_73 = arith.cmpi slt, %add3A_71, %lt3A_72 : i32
      %convert_element_type3A = arith.extui %lt3A_73 : i1 to i32
      %cond3A = arith.constant 0 : i32
      %cond3A_74 = arith.cmpi ne, %convert_element_type3A, %cond3A : i32
      scf.if %cond3A_74 {
        %add3A_180 = arith.constant 1 : i32
        %add3A_181 = arith.addi %add3A_69, %add3A_180 : i32
        %mul3A_182 = arith.constant 40 : i32
        %mul3A_183 = arith.muli %add3A_181, %mul3A_182 : i32
        %sub3A_184 = arith.constant 40 : i32
        %sub3A_185 = arith.subi %add3A_8, %sub3A_184 : i32
        %min3A_186 = arith.minsi %mul3A_183, %sub3A_185 : i32
        %add3A_187 = arith.addi %add3A_4, %min3A_186 : i32
        %mul3A_188 = arith.constant 128 : i32
        %mul3A_189 = arith.muli %add3A_187, %mul3A_188 : i32
        %multiple_of3A_190 = tpu.assume_multiple %mul3A_189, 128 : i32
        %dma_start3A_191 = arith.constant 1 : i32
        %dma_start3A_192 = arith.constant 0 : i32
        %dma_start3A_193 = arith.constant 0 : i32
        %dma_start3A_194 = tpu.memref_slice %arg6[%dma_start3A_191, %dma_start3A_192, %dma_start3A_193] : memref<2x2x5120xi32, #tpu.memory_space<vmem>> -> memref<1x2x5120xi32, #tpu.memory_space<vmem>>
        %dma_start3A_195 = tpu.memref_squeeze %dma_start3A_194 : memref<1x2x5120xi32, #tpu.memory_space<vmem>> -> memref<2x5120xi32, #tpu.memory_space<vmem>>
        %dma_start3A_196 = arith.constant 0 : i32
        %dma_start3A_197 = tpu.memref_slice %arg3[%dma_start3A_196, %multiple_of3A_190] : memref<2x6400000xi32, #tpu.memory_space<hbm>> -> memref<2x5120xi32, #tpu.memory_space<hbm>>
        %dma_start3A_198 = arith.constant 0 : i32
        %dma_start3A_199 = arith.constant 0 : i32
        %dma_start3A_200 = tpu.memref_slice %arg6[%dma_start3A_191, %dma_start3A_198, %dma_start3A_199] : memref<2x2x5120xi32, #tpu.memory_space<vmem>> -> memref<1x2x5120xi32, #tpu.memory_space<vmem>>
        %dma_start3A_201 = tpu.memref_squeeze %dma_start3A_200 : memref<1x2x5120xi32, #tpu.memory_space<vmem>> -> memref<2x5120xi32, #tpu.memory_space<vmem>>
        %dma_start3A_202 = arith.constant 0 : i32
        %dma_start3A_203 = tpu.memref_slice %arg3[%dma_start3A_202, %multiple_of3A_190] : memref<2x6400000xi32, #tpu.memory_space<hbm>> -> memref<2x5120xi32, #tpu.memory_space<hbm>>
        tpu.enqueue_dma source(%dma_start3A_203 : memref<2x5120xi32, #tpu.memory_space<hbm>>) target(%dma_start3A_201 : memref<2x5120xi32, #tpu.memory_space<vmem>>) target_semaphore(%arg9 : memref<!tpu.dma_semaphore, #tpu.memory_space<semaphore_mem>>)
      } else {
      }
      %mul3A_75 = arith.constant 40 : i32
      %mul3A_76 = arith.muli %add3A_69, %mul3A_75 : i32
      %sub3A_77 = arith.constant 40 : i32
      %sub3A_78 = arith.subi %add3A_8, %sub3A_77 : i32
      %min3A_79 = arith.minsi %mul3A_76, %sub3A_78 : i32
      %add3A_80 = arith.addi %add3A_4, %min3A_79 : i32
      %mul3A_81 = arith.constant 128 : i32
      %mul3A_82 = arith.muli %add3A_80, %mul3A_81 : i32
      %multiple_of3A_83 = tpu.assume_multiple %mul3A_82, 128 : i32
      %dma_wait3A_84 = arith.constant 0 : i32
      %dma_wait3A_85 = arith.constant 0 : i32
      %dma_wait3A_86 = arith.constant 0 : i32
      %dma_wait3A_87 = tpu.memref_slice %arg6[%dma_wait3A_84, %dma_wait3A_85, %dma_wait3A_86] : memref<2x2x5120xi32, #tpu.memory_space<vmem>> -> memref<1x2x5120xi32, #tpu.memory_space<vmem>>
      %dma_wait3A_88 = tpu.memref_squeeze %dma_wait3A_87 : memref<1x2x5120xi32, #tpu.memory_space<vmem>> -> memref<2x5120xi32, #tpu.memory_space<vmem>>
      %dma_wait3A_89 = arith.constant 0 : i32
      %dma_wait3A_90 = tpu.memref_slice %arg3[%dma_wait3A_89, %multiple_of3A_83] : memref<2x6400000xi32, #tpu.memory_space<hbm>> -> memref<2x5120xi32, #tpu.memory_space<hbm>>
      %dma_wait3A_91 = arith.constant 0 : i32
      %dma_wait3A_92 = arith.constant 0 : i32
      %dma_wait3A_93 = tpu.memref_slice %arg6[%dma_wait3A_84, %dma_wait3A_91, %dma_wait3A_92] : memref<2x2x5120xi32, #tpu.memory_space<vmem>> -> memref<1x2x5120xi32, #tpu.memory_space<vmem>>
      %dma_wait3A_94 = tpu.memref_squeeze %dma_wait3A_93 : memref<1x2x5120xi32, #tpu.memory_space<vmem>> -> memref<2x5120xi32, #tpu.memory_space<vmem>>
      %dma_wait3A_95 = arith.constant 0 : i32
      %dma_wait3A_96 = tpu.memref_slice %arg3[%dma_wait3A_95, %multiple_of3A_83] : memref<2x6400000xi32, #tpu.memory_space<hbm>> -> memref<2x5120xi32, #tpu.memory_space<hbm>>
      tpu.wait_dma2 semaphore(%arg8 : memref<!tpu.dma_semaphore, #tpu.memory_space<semaphore_mem>>) src(%dma_wait3A_96 : memref<2x5120xi32, #tpu.memory_space<hbm>>) dst(%dma_wait3A_94 : memref<2x5120xi32, #tpu.memory_space<vmem>>)
      %ge3A = arith.constant 2 : i32
      %ge3A_97 = arith.cmpi sge, %add3A_69, %ge3A : i32
      %convert_element_type3A_98 = arith.extui %ge3A_97 : i1 to i32
      %cond3A_99 = arith.constant 0 : i32
      %cond3A_100 = arith.cmpi ne, %convert_element_type3A_98, %cond3A_99 : i32
      scf.if %cond3A_100 {
        %sub3A_180 = arith.constant 2 : i32
        %sub3A_181 = arith.subi %add3A_69, %sub3A_180 : i32
        %mul3A_182 = arith.constant 40 : i32
        %mul3A_183 = arith.muli %sub3A_181, %mul3A_182 : i32
        %sub3A_184 = arith.constant 40 : i32
        %sub3A_185 = arith.subi %add3A_8, %sub3A_184 : i32
        %min3A_186 = arith.minsi %mul3A_183, %sub3A_185 : i32
        %add3A_187 = arith.addi %add3A_4, %min3A_186 : i32
        %mul3A_188 = arith.constant 128 : i32
        %mul3A_189 = arith.muli %add3A_187, %mul3A_188 : i32
        %multiple_of3A_190 = tpu.assume_multiple %mul3A_189, 128 : i32
        %dma_wait3A_191 = arith.constant 0 : i32
        %dma_wait3A_192 = arith.constant 0 : i32
        %dma_wait3A_193 = tpu.memref_slice %arg7[%dma_wait3A_191, %dma_wait3A_192] : memref<2x5120xf32, #tpu.memory_space<vmem>> -> memref<1x5120xf32, #tpu.memory_space<vmem>>
        %dma_wait3A_194 = tpu.memref_squeeze %dma_wait3A_193 : memref<1x5120xf32, #tpu.memory_space<vmem>> -> memref<5120xf32, #tpu.memory_space<vmem>>
        %dma_wait3A_195 = tpu.memref_slice %arg4[%multiple_of3A_190] : memref<6400000xf32, #tpu.memory_space<hbm>> -> memref<5120xf32, #tpu.memory_space<hbm>>
        %dma_wait3A_196 = tpu.memref_slice %arg4[%multiple_of3A_190] : memref<6400000xf32, #tpu.memory_space<hbm>> -> memref<5120xf32, #tpu.memory_space<hbm>>
        %dma_wait3A_197 = arith.constant 0 : i32
        %dma_wait3A_198 = tpu.memref_slice %arg7[%dma_wait3A_191, %dma_wait3A_197] : memref<2x5120xf32, #tpu.memory_space<vmem>> -> memref<1x5120xf32, #tpu.memory_space<vmem>>
        %dma_wait3A_199 = tpu.memref_squeeze %dma_wait3A_198 : memref<1x5120xf32, #tpu.memory_space<vmem>> -> memref<5120xf32, #tpu.memory_space<vmem>>
        tpu.wait_dma2 semaphore(%arg10 : memref<!tpu.dma_semaphore, #tpu.memory_space<semaphore_mem>>) src(%dma_wait3A_199 : memref<5120xf32, #tpu.memory_space<vmem>>) dst(%dma_wait3A_196 : memref<5120xf32, #tpu.memory_space<hbm>>)
      } else {
      }
      %parallel_loop3A = arith.constant 0 : i32
      %parallel_loop3A_101 = arith.constant 5120 : i32
      %parallel_loop3A_102 = arith.constant 16 : i32
      scf.for %parallel_loop3A_180 = %parallel_loop3A to %parallel_loop3A_101 step %parallel_loop3A_102  : i32 {
        %parallel_loop3A_181 = arith.constant 0 : i32
        %parallel_loop3A_182 = arith.constant 0 : i32
        %parallel_loop3A_183 = arith.index_cast %parallel_loop3A_181 : i32 to index
        %parallel_loop3A_184 = arith.index_cast %parallel_loop3A_182 : i32 to index
        %parallel_loop3A_185 = arith.index_cast %parallel_loop3A_180 : i32 to index
        %parallel_loop3A_186 = tpu.vector_load %arg6[%parallel_loop3A_183, %parallel_loop3A_184, %parallel_loop3A_185] {strides = array<i32>} : memref<2x2x5120xi32, #tpu.memory_space<vmem>>, vector<16xi32>,
        %parallel_loop3A_187 = tpu.vector_load_idx %arg5[%parallel_loop3A_186] : memref<100000xf32, #tpu.memory_space<vmem>>[vector<16xi32>], vector<16xf32>,
        %parallel_loop3A_188 = arith.constant 0 : i32
        %parallel_loop3A_189 = arith.constant 1 : i32
        %parallel_loop3A_190 = arith.index_cast %parallel_loop3A_188 : i32 to index
        %parallel_loop3A_191 = arith.index_cast %parallel_loop3A_189 : i32 to index
        %parallel_loop3A_192 = arith.index_cast %parallel_loop3A_180 : i32 to index
        %parallel_loop3A_193 = tpu.vector_load %arg6[%parallel_loop3A_190, %parallel_loop3A_191, %parallel_loop3A_192] {strides = array<i32>} : memref<2x2x5120xi32, #tpu.memory_space<vmem>>, vector<16xi32>,
        %parallel_loop3A_194 = tpu.vector_load_idx %arg5[%parallel_loop3A_193] : memref<100000xf32, #tpu.memory_space<vmem>>[vector<16xi32>], vector<16xf32>,
        %parallel_loop3A_195 = arith.mulf %parallel_loop3A_187, %parallel_loop3A_194 : vector<16xf32>
        %parallel_loop3A_196 = arith.constant 0 : i32
        %parallel_loop3A_197 = arith.index_cast %parallel_loop3A_196 : i32 to index
        %parallel_loop3A_198 = arith.index_cast %parallel_loop3A_180 : i32 to index
        %parallel_loop3A_199 = tpu.vector_load %arg7[%parallel_loop3A_197, %parallel_loop3A_198] {strides = array<i32>} : memref<2x5120xf32, #tpu.memory_space<vmem>>, vector<16xf32>,
        tpu.vector_store %arg7[%parallel_loop3A_197, %parallel_loop3A_198], %parallel_loop3A_195 {strides = array<i32>} : memref<2x5120xf32, #tpu.memory_space<vmem>>, vector<16xf32>,
      } {sc.loop_unroll_factor = 16 : i64, sc.parallel_access}
      %mul3A_103 = arith.constant 40 : i32
      %mul3A_104 = arith.muli %add3A_69, %mul3A_103 : i32
      %sub3A_105 = arith.constant 40 : i32
      %sub3A_106 = arith.subi %add3A_8, %sub3A_105 : i32
      %min3A_107 = arith.minsi %mul3A_104, %sub3A_106 : i32
      %add3A_108 = arith.addi %add3A_4, %min3A_107 : i32
      %mul3A_109 = arith.constant 128 : i32
      %mul3A_110 = arith.muli %add3A_108, %mul3A_109 : i32
      %multiple_of3A_111 = tpu.assume_multiple %mul3A_110, 128 : i32
      %dma_start3A_112 = arith.constant 0 : i32
      %dma_start3A_113 = arith.constant 0 : i32
      %dma_start3A_114 = tpu.memref_slice %arg7[%dma_start3A_112, %dma_start3A_113] : memref<2x5120xf32, #tpu.memory_space<vmem>> -> memref<1x5120xf32, #tpu.memory_space<vmem>>
      %dma_start3A_115 = tpu.memref_squeeze %dma_start3A_114 : memref<1x5120xf32, #tpu.memory_space<vmem>> -> memref<5120xf32, #tpu.memory_space<vmem>>
      %dma_start3A_116 = tpu.memref_slice %arg4[%multiple_of3A_111] : memref<6400000xf32, #tpu.memory_space<hbm>> -> memref<5120xf32, #tpu.memory_space<hbm>>
      %dma_start3A_117 = tpu.memref_slice %arg4[%multiple_of3A_111] : memref<6400000xf32, #tpu.memory_space<hbm>> -> memref<5120xf32, #tpu.memory_space<hbm>>
      %dma_start3A_118 = arith.constant 0 : i32
      %dma_start3A_119 = tpu.memref_slice %arg7[%dma_start3A_112, %dma_start3A_118] : memref<2x5120xf32, #tpu.memory_space<vmem>> -> memref<1x5120xf32, #tpu.memory_space<vmem>>
      %dma_start3A_120 = tpu.memref_squeeze %dma_start3A_119 : memref<1x5120xf32, #tpu.memory_space<vmem>> -> memref<5120xf32, #tpu.memory_space<vmem>>
      tpu.enqueue_dma source(%dma_start3A_120 : memref<5120xf32, #tpu.memory_space<vmem>>) target(%dma_start3A_117 : memref<5120xf32, #tpu.memory_space<hbm>>) target_semaphore(%arg10 : memref<!tpu.dma_semaphore, #tpu.memory_space<semaphore_mem>>)
      %mul3A_121 = arith.constant 2 : i32
      %mul3A_122 = arith.muli %mul3A_121, %scan3A_65 : i32
      %add3A_123 = arith.constant 1 : i32
      %add3A_124 = arith.addi %mul3A_122, %add3A_123 : i32
      %add3A_125 = arith.constant 1 : i32
      %add3A_126 = arith.addi %add3A_124, %add3A_125 : i32
      %lt3A_127 = arith.constant 40 : i32
      %lt3A_128 = arith.cmpi slt, %add3A_126, %lt3A_127 : i32
      %convert_element_type3A_129 = arith.extui %lt3A_128 : i1 to i32
      %cond3A_130 = arith.constant 0 : i32
      %cond3A_131 = arith.cmpi ne, %convert_element_type3A_129, %cond3A_130 : i32
      scf.if %cond3A_131 {
        %add3A_180 = arith.constant 1 : i32
        %add3A_181 = arith.addi %add3A_124, %add3A_180 : i32
        %mul3A_182 = arith.constant 40 : i32
        %mul3A_183 = arith.muli %add3A_181, %mul3A_182 : i32
        %sub3A_184 = arith.constant 40 : i32
        %sub3A_185 = arith.subi %add3A_8, %sub3A_184 : i32
        %min3A_186 = arith.minsi %mul3A_183, %sub3A_185 : i32
        %add3A_187 = arith.addi %add3A_4, %min3A_186 : i32
        %mul3A_188 = arith.constant 128 : i32
        %mul3A_189 = arith.muli %add3A_187, %mul3A_188 : i32
        %multiple_of3A_190 = tpu.assume_multiple %mul3A_189, 128 : i32
        %dma_start3A_191 = arith.constant 0 : i32
        %dma_start3A_192 = arith.constant 0 : i32
        %dma_start3A_193 = arith.constant 0 : i32
        %dma_start3A_194 = tpu.memref_slice %arg6[%dma_start3A_191, %dma_start3A_192, %dma_start3A_193] : memref<2x2x5120xi32, #tpu.memory_space<vmem>> -> memref<1x2x5120xi32, #tpu.memory_space<vmem>>
        %dma_start3A_195 = tpu.memref_squeeze %dma_start3A_194 : memref<1x2x5120xi32, #tpu.memory_space<vmem>> -> memref<2x5120xi32, #tpu.memory_space<vmem>>
        %dma_start3A_196 = arith.constant 0 : i32
        %dma_start3A_197 = tpu.memref_slice %arg3[%dma_start3A_196, %multiple_of3A_190] : memref<2x6400000xi32, #tpu.memory_space<hbm>> -> memref<2x5120xi32, #tpu.memory_space<hbm>>
        %dma_start3A_198 = arith.constant 0 : i32
        %dma_start3A_199 = arith.constant 0 : i32
        %dma_start3A_200 = tpu.memref_slice %arg6[%dma_start3A_191, %dma_start3A_198, %dma_start3A_199] : memref<2x2x5120xi32, #tpu.memory_space<vmem>> -> memref<1x2x5120xi32, #tpu.memory_space<vmem>>
        %dma_start3A_201 = tpu.memref_squeeze %dma_start3A_200 : memref<1x2x5120xi32, #tpu.memory_space<vmem>> -> memref<2x5120xi32, #tpu.memory_space<vmem>>
        %dma_start3A_202 = arith.constant 0 : i32
        %dma_start3A_203 = tpu.memref_slice %arg3[%dma_start3A_202, %multiple_of3A_190] : memref<2x6400000xi32, #tpu.memory_space<hbm>> -> memref<2x5120xi32, #tpu.memory_space<hbm>>
        tpu.enqueue_dma source(%dma_start3A_203 : memref<2x5120xi32, #tpu.memory_space<hbm>>) target(%dma_start3A_201 : memref<2x5120xi32, #tpu.memory_space<vmem>>) target_semaphore(%arg8 : memref<!tpu.dma_semaphore, #tpu.memory_space<semaphore_mem>>)
      } else {
      }
      %mul3A_132 = arith.constant 40 : i32
      %mul3A_133 = arith.muli %add3A_124, %mul3A_132 : i32
      %sub3A_134 = arith.constant 40 : i32
      %sub3A_135 = arith.subi %add3A_8, %sub3A_134 : i32
      %min3A_136 = arith.minsi %mul3A_133, %sub3A_135 : i32
      %add3A_137 = arith.addi %add3A_4, %min3A_136 : i32
      %mul3A_138 = arith.constant 128 : i32
      %mul3A_139 = arith.muli %add3A_137, %mul3A_138 : i32
      %multiple_of3A_140 = tpu.assume_multiple %mul3A_139, 128 : i32
      %dma_wait3A_141 = arith.constant 1 : i32
      %dma_wait3A_142 = arith.constant 0 : i32
      %dma_wait3A_143 = arith.constant 0 : i32
      %dma_wait3A_144 = tpu.memref_slice %arg6[%dma_wait3A_141, %dma_wait3A_142, %dma_wait3A_143] : memref<2x2x5120xi32, #tpu.memory_space<vmem>> -> memref<1x2x5120xi32, #tpu.memory_space<vmem>>
      %dma_wait3A_145 = tpu.memref_squeeze %dma_wait3A_144 : memref<1x2x5120xi32, #tpu.memory_space<vmem>> -> memref<2x5120xi32, #tpu.memory_space<vmem>>
      %dma_wait3A_146 = arith.constant 0 : i32
      %dma_wait3A_147 = tpu.memref_slice %arg3[%dma_wait3A_146, %multiple_of3A_140] : memref<2x6400000xi32, #tpu.memory_space<hbm>> -> memref<2x5120xi32, #tpu.memory_space<hbm>>
      %dma_wait3A_148 = arith.constant 0 : i32
      %dma_wait3A_149 = arith.constant 0 : i32
      %dma_wait3A_150 = tpu.memref_slice %arg6[%dma_wait3A_141, %dma_wait3A_148, %dma_wait3A_149] : memref<2x2x5120xi32, #tpu.memory_space<vmem>> -> memref<1x2x5120xi32, #tpu.memory_space<vmem>>
      %dma_wait3A_151 = tpu.memref_squeeze %dma_wait3A_150 : memref<1x2x5120xi32, #tpu.memory_space<vmem>> -> memref<2x5120xi32, #tpu.memory_space<vmem>>
      %dma_wait3A_152 = arith.constant 0 : i32
      %dma_wait3A_153 = tpu.memref_slice %arg3[%dma_wait3A_152, %multiple_of3A_140] : memref<2x6400000xi32, #tpu.memory_space<hbm>> -> memref<2x5120xi32, #tpu.memory_space<hbm>>
      tpu.wait_dma2 semaphore(%arg9 : memref<!tpu.dma_semaphore, #tpu.memory_space<semaphore_mem>>) src(%dma_wait3A_153 : memref<2x5120xi32, #tpu.memory_space<hbm>>) dst(%dma_wait3A_151 : memref<2x5120xi32, #tpu.memory_space<vmem>>)
      %ge3A_154 = arith.constant 2 : i32
      %ge3A_155 = arith.cmpi sge, %add3A_124, %ge3A_154 : i32
      %convert_element_type3A_156 = arith.extui %ge3A_155 : i1 to i32
      %cond3A_157 = arith.constant 0 : i32
      %cond3A_158 = arith.cmpi ne, %convert_element_type3A_156, %cond3A_157 : i32
      scf.if %cond3A_158 {
        %sub3A_180 = arith.constant 2 : i32
        %sub3A_181 = arith.subi %add3A_124, %sub3A_180 : i32
        %mul3A_182 = arith.constant 40 : i32
        %mul3A_183 = arith.muli %sub3A_181, %mul3A_182 : i32
        %sub3A_184 = arith.constant 40 : i32
        %sub3A_185 = arith.subi %add3A_8, %sub3A_184 : i32
        %min3A_186 = arith.minsi %mul3A_183, %sub3A_185 : i32
        %add3A_187 = arith.addi %add3A_4, %min3A_186 : i32
        %mul3A_188 = arith.constant 128 : i32
        %mul3A_189 = arith.muli %add3A_187, %mul3A_188 : i32
        %multiple_of3A_190 = tpu.assume_multiple %mul3A_189, 128 : i32
        %dma_wait3A_191 = arith.constant 1 : i32
        %dma_wait3A_192 = arith.constant 0 : i32
        %dma_wait3A_193 = tpu.memref_slice %arg7[%dma_wait3A_191, %dma_wait3A_192] : memref<2x5120xf32, #tpu.memory_space<vmem>> -> memref<1x5120xf32, #tpu.memory_space<vmem>>
        %dma_wait3A_194 = tpu.memref_squeeze %dma_wait3A_193 : memref<1x5120xf32, #tpu.memory_space<vmem>> -> memref<5120xf32, #tpu.memory_space<vmem>>
        %dma_wait3A_195 = tpu.memref_slice %arg4[%multiple_of3A_190] : memref<6400000xf32, #tpu.memory_space<hbm>> -> memref<5120xf32, #tpu.memory_space<hbm>>
        %dma_wait3A_196 = tpu.memref_slice %arg4[%multiple_of3A_190] : memref<6400000xf32, #tpu.memory_space<hbm>> -> memref<5120xf32, #tpu.memory_space<hbm>>
        %dma_wait3A_197 = arith.constant 0 : i32
        %dma_wait3A_198 = tpu.memref_slice %arg7[%dma_wait3A_191, %dma_wait3A_197] : memref<2x5120xf32, #tpu.memory_space<vmem>> -> memref<1x5120xf32, #tpu.memory_space<vmem>>
        %dma_wait3A_199 = tpu.memref_squeeze %dma_wait3A_198 : memref<1x5120xf32, #tpu.memory_space<vmem>> -> memref<5120xf32, #tpu.memory_space<vmem>>
        tpu.wait_dma2 semaphore(%arg11 : memref<!tpu.dma_semaphore, #tpu.memory_space<semaphore_mem>>) src(%dma_wait3A_199 : memref<5120xf32, #tpu.memory_space<vmem>>) dst(%dma_wait3A_196 : memref<5120xf32, #tpu.memory_space<hbm>>)
      } else {
      }
      %parallel_loop3A_159 = arith.constant 0 : i32
      %parallel_loop3A_160 = arith.constant 5120 : i32
      %parallel_loop3A_161 = arith.constant 16 : i32
      scf.for %parallel_loop3A_180 = %parallel_loop3A_159 to %parallel_loop3A_160 step %parallel_loop3A_161  : i32 {
        %parallel_loop3A_181 = arith.constant 1 : i32
        %parallel_loop3A_182 = arith.constant 0 : i32
        %parallel_loop3A_183 = arith.index_cast %parallel_loop3A_181 : i32 to index
        %parallel_loop3A_184 = arith.index_cast %parallel_loop3A_182 : i32 to index
        %parallel_loop3A_185 = arith.index_cast %parallel_loop3A_180 : i32 to index
        %parallel_loop3A_186 = tpu.vector_load %arg6[%parallel_loop3A_183, %parallel_loop3A_184, %parallel_loop3A_185] {strides = array<i32>} : memref<2x2x5120xi32, #tpu.memory_space<vmem>>, vector<16xi32>,
        %parallel_loop3A_187 = tpu.vector_load_idx %arg5[%parallel_loop3A_186] : memref<100000xf32, #tpu.memory_space<vmem>>[vector<16xi32>], vector<16xf32>,
        %parallel_loop3A_188 = arith.constant 1 : i32
        %parallel_loop3A_189 = arith.constant 1 : i32
        %parallel_loop3A_190 = arith.index_cast %parallel_loop3A_188 : i32 to index
        %parallel_loop3A_191 = arith.index_cast %parallel_loop3A_189 : i32 to index
        %parallel_loop3A_192 = arith.index_cast %parallel_loop3A_180 : i32 to index
        %parallel_loop3A_193 = tpu.vector_load %arg6[%parallel_loop3A_190, %parallel_loop3A_191, %parallel_loop3A_192] {strides = array<i32>} : memref<2x2x5120xi32, #tpu.memory_space<vmem>>, vector<16xi32>,
        %parallel_loop3A_194 = tpu.vector_load_idx %arg5[%parallel_loop3A_193] : memref<100000xf32, #tpu.memory_space<vmem>>[vector<16xi32>], vector<16xf32>,
        %parallel_loop3A_195 = arith.mulf %parallel_loop3A_187, %parallel_loop3A_194 : vector<16xf32>
        %parallel_loop3A_196 = arith.constant 1 : i32
        %parallel_loop3A_197 = arith.index_cast %parallel_loop3A_196 : i32 to index
        %parallel_loop3A_198 = arith.index_cast %parallel_loop3A_180 : i32 to index
        %parallel_loop3A_199 = tpu.vector_load %arg7[%parallel_loop3A_197, %parallel_loop3A_198] {strides = array<i32>} : memref<2x5120xf32, #tpu.memory_space<vmem>>, vector<16xf32>,
        tpu.vector_store %arg7[%parallel_loop3A_197, %parallel_loop3A_198], %parallel_loop3A_195 {strides = array<i32>} : memref<2x5120xf32, #tpu.memory_space<vmem>>, vector<16xf32>,
      } {sc.loop_unroll_factor = 16 : i64, sc.parallel_access}
      %mul3A_162 = arith.constant 40 : i32
      %mul3A_163 = arith.muli %add3A_124, %mul3A_162 : i32
      %sub3A_164 = arith.constant 40 : i32
      %sub3A_165 = arith.subi %add3A_8, %sub3A_164 : i32
      %min3A_166 = arith.minsi %mul3A_163, %sub3A_165 : i32
      %add3A_167 = arith.addi %add3A_4, %min3A_166 : i32
      %mul3A_168 = arith.constant 128 : i32
      %mul3A_169 = arith.muli %add3A_167, %mul3A_168 : i32
      %multiple_of3A_170 = tpu.assume_multiple %mul3A_169, 128 : i32
      %dma_start3A_171 = arith.constant 1 : i32
      %dma_start3A_172 = arith.constant 0 : i32
      %dma_start3A_173 = tpu.memref_slice %arg7[%dma_start3A_171, %dma_start3A_172] : memref<2x5120xf32, #tpu.memory_space<vmem>> -> memref<1x5120xf32, #tpu.memory_space<vmem>>
      %dma_start3A_174 = tpu.memref_squeeze %dma_start3A_173 : memref<1x5120xf32, #tpu.memory_space<vmem>> -> memref<5120xf32, #tpu.memory_space<vmem>>
      %dma_start3A_175 = tpu.memref_slice %arg4[%multiple_of3A_170] : memref<6400000xf32, #tpu.memory_space<hbm>> -> memref<5120xf32, #tpu.memory_space<hbm>>
      %dma_start3A_176 = tpu.memref_slice %arg4[%multiple_of3A_170] : memref<6400000xf32, #tpu.memory_space<hbm>> -> memref<5120xf32, #tpu.memory_space<hbm>>
      %dma_start3A_177 = arith.constant 0 : i32
      %dma_start3A_178 = tpu.memref_slice %arg7[%dma_start3A_171, %dma_start3A_177] : memref<2x5120xf32, #tpu.memory_space<vmem>> -> memref<1x5120xf32, #tpu.memory_space<vmem>>
      %dma_start3A_179 = tpu.memref_squeeze %dma_start3A_178 : memref<1x5120xf32, #tpu.memory_space<vmem>> -> memref<5120xf32, #tpu.memory_space<vmem>>
      tpu.enqueue_dma source(%dma_start3A_179 : memref<5120xf32, #tpu.memory_space<vmem>>) target(%dma_start3A_176 : memref<5120xf32, #tpu.memory_space<hbm>>) target_semaphore(%arg11 : memref<!tpu.dma_semaphore, #tpu.memory_space<semaphore_mem>>)
    }
    %scan3A_31 = arith.constant 20 : i32
    %sub3A_32 = arith.constant 40 : i32
    %sub3A_33 = arith.subi %add3A_8, %sub3A_32 : i32
    %min3A_34 = arith.constant 1520 : i32
    %min3A_35 = arith.minsi %min3A_34, %sub3A_33 : i32
    %add3A_36 = arith.addi %add3A_4, %min3A_35 : i32
    %mul3A_37 = arith.constant 128 : i32
    %mul3A_38 = arith.muli %add3A_36, %mul3A_37 : i32
    %multiple_of3A_39 = tpu.assume_multiple %mul3A_38, 128 : i32
    %dma_wait3A = arith.constant 0 : i32
    %dma_wait3A_40 = arith.constant 0 : i32
    %dma_wait3A_41 = tpu.memref_slice %arg7[%dma_wait3A, %dma_wait3A_40] : memref<2x5120xf32, #tpu.memory_space<vmem>> -> memref<1x5120xf32, #tpu.memory_space<vmem>>
    %dma_wait3A_42 = tpu.memref_squeeze %dma_wait3A_41 : memref<1x5120xf32, #tpu.memory_space<vmem>> -> memref<5120xf32, #tpu.memory_space<vmem>>
    %dma_wait3A_43 = tpu.memref_slice %arg4[%multiple_of3A_39] : memref<6400000xf32, #tpu.memory_space<hbm>> -> memref<5120xf32, #tpu.memory_space<hbm>>
    %dma_wait3A_44 = tpu.memref_slice %arg4[%multiple_of3A_39] : memref<6400000xf32, #tpu.memory_space<hbm>> -> memref<5120xf32, #tpu.memory_space<hbm>>
    %dma_wait3A_45 = arith.constant 0 : i32
    %dma_wait3A_46 = tpu.memref_slice %arg7[%dma_wait3A, %dma_wait3A_45] : memref<2x5120xf32, #tpu.memory_space<vmem>> -> memref<1x5120xf32, #tpu.memory_space<vmem>>
    %dma_wait3A_47 = tpu.memref_squeeze %dma_wait3A_46 : memref<1x5120xf32, #tpu.memory_space<vmem>> -> memref<5120xf32, #tpu.memory_space<vmem>>
    tpu.wait_dma2 semaphore(%arg10 : memref<!tpu.dma_semaphore, #tpu.memory_space<semaphore_mem>>) src(%dma_wait3A_47 : memref<5120xf32, #tpu.memory_space<vmem>>) dst(%dma_wait3A_44 : memref<5120xf32, #tpu.memory_space<hbm>>)
    %sub3A_48 = arith.constant 40 : i32
    %sub3A_49 = arith.subi %add3A_8, %sub3A_48 : i32
    %min3A_50 = arith.constant 1560 : i32
    %min3A_51 = arith.minsi %min3A_50, %sub3A_49 : i32
    %add3A_52 = arith.addi %add3A_4, %min3A_51 : i32
    %mul3A_53 = arith.constant 128 : i32
    %mul3A_54 = arith.muli %add3A_52, %mul3A_53 : i32
    %multiple_of3A_55 = tpu.assume_multiple %mul3A_54, 128 : i32
    %dma_wait3A_56 = arith.constant 1 : i32
    %dma_wait3A_57 = arith.constant 0 : i32
    %dma_wait3A_58 = tpu.memref_slice %arg7[%dma_wait3A_56, %dma_wait3A_57] : memref<2x5120xf32, #tpu.memory_space<vmem>> -> memref<1x5120xf32, #tpu.memory_space<vmem>>
    %dma_wait3A_59 = tpu.memref_squeeze %dma_wait3A_58 : memref<1x5120xf32, #tpu.memory_space<vmem>> -> memref<5120xf32, #tpu.memory_space<vmem>>
    %dma_wait3A_60 = tpu.memref_slice %arg4[%multiple_of3A_55] : memref<6400000xf32, #tpu.memory_space<hbm>> -> memref<5120xf32, #tpu.memory_space<hbm>>
    %dma_wait3A_61 = tpu.memref_slice %arg4[%multiple_of3A_55] : memref<6400000xf32, #tpu.memory_space<hbm>> -> memref<5120xf32, #tpu.memory_space<hbm>>
    %dma_wait3A_62 = arith.constant 0 : i32
    %dma_wait3A_63 = tpu.memref_slice %arg7[%dma_wait3A_56, %dma_wait3A_62] : memref<2x5120xf32, #tpu.memory_space<vmem>> -> memref<1x5120xf32, #tpu.memory_space<vmem>>
    %dma_wait3A_64 = tpu.memref_squeeze %dma_wait3A_63 : memref<1x5120xf32, #tpu.memory_space<vmem>> -> memref<5120xf32, #tpu.memory_space<vmem>>
    tpu.wait_dma2 semaphore(%arg11 : memref<!tpu.dma_semaphore, #tpu.memory_space<semaphore_mem>>) src(%dma_wait3A_64 : memref<5120xf32, #tpu.memory_space<vmem>>) dst(%dma_wait3A_61 : memref<5120xf32, #tpu.memory_space<hbm>>)
    return
  }
}

module attributes {stable_mosaic.version = 14 : i64} {
  func.func @_combine_body(%arg0: i32, %arg1: memref<1xf32, #tpu.memory_space<smem>>, %arg2: memref<640000xf32, #tpu.memory_space<vmem>>, %arg3: memref<640000xf32, #tpu.memory_space<vmem>>, %arg4: memref<640000xf32, #tpu.memory_space<vmem>>) attributes {dimension_semantics = [#tpu.dimension_semantics<arbitrary>], iteration_bounds = array<i64: 10>, scalar_prefetch = 0 : i64, scratch_operands = 0 : i64, tpu.core_type = #tpu.core_type<tc>, window_params = [{transform_indices = @transform_0, window_bounds = array<i64: 1>}, {transform_indices = @transform_1, window_bounds = array<i64: 640000>}, {transform_indices = @transform_2, window_bounds = array<i64: 640000>}, {transform_indices = @transform_3, window_bounds = array<i64: 640000>}]} {
    %get3A = arith.constant 0 : index
    %get3A_0 = memref.load %arg1[%get3A] : memref<1xf32, #tpu.memory_space<smem>>
    %get3A_1 = arith.constant 0 : index
    %get3A_2 = vector.load %arg2[%get3A_1] : memref<640000xf32, #tpu.memory_space<vmem>>, vector<640000xf32>
    %get3A_3 = arith.constant 0 : index
    %get3A_4 = vector.load %arg3[%get3A_3] : memref<640000xf32, #tpu.memory_space<vmem>>, vector<640000xf32>
    %sub3A = vector.broadcast %get3A_0 : f32 to vector<640000xf32>
    %sub3A_5 = arith.subf %sub3A, %get3A_4 : vector<640000xf32>
    %mul3A = arith.mulf %get3A_2, %sub3A_5 : vector<640000xf32>
    %swap3A = arith.constant 0 : index
    %swap3A_6 = vector.load %arg4[%swap3A] : memref<640000xf32, #tpu.memory_space<vmem>>, vector<640000xf32>
    tpu.vector_store %arg4[%swap3A], %mul3A {strides = array<i32>} : memref<640000xf32, #tpu.memory_space<vmem>>, vector<640000xf32>,
    return
  }
  func.func @transform_0(%arg0: i32) -> i32 {
    %c0_i32 = arith.constant 0 : i32
    %c0_i32_0 = arith.constant 0 : i32
    return %c0_i32 : i32
  }
  func.func @transform_1(%arg0: i32) -> i32 {
    %c0_i32 = arith.constant 0 : i32
    return %arg0 : i32
  }
  func.func @transform_2(%arg0: i32) -> i32 {
    %c0_i32 = arith.constant 0 : i32
    return %arg0 : i32
  }
  func.func @transform_3(%arg0: i32) -> i32 {
    %c0_i32 = arith.constant 0 : i32
    return %arg0 : i32
  }
}

module attributes {stable_mosaic.version = 14 : i64} {
  func.func @_sum_body(%arg0: i32, %arg1: memref<640000xf32, #tpu.memory_space<vmem>>, %arg2: memref<640000xf32, #tpu.memory_space<vmem>>, %arg3: memref<1xf32, #tpu.memory_space<smem>>, %arg4: memref<640000xf32, #tpu.memory_space<vmem>>) attributes {dimension_semantics = [#tpu.dimension_semantics<arbitrary>], iteration_bounds = array<i64: 10>, scalar_prefetch = 0 : i64, scratch_operands = 1 : i64, tpu.core_type = #tpu.core_type<tc>, window_params = [{transform_indices = @transform_0, window_bounds = array<i64: 640000>}, {transform_indices = @transform_1, window_bounds = array<i64: 640000>}, {transform_indices = @transform_2, window_bounds = array<i64: 1>}]} {
    %get3A = arith.constant 0 : index
    %get3A_0 = vector.load %arg1[%get3A] : memref<640000xf32, #tpu.memory_space<vmem>>, vector<640000xf32>
    %mul3A = arith.mulf %get3A_0, %get3A_0 : vector<640000xf32>
    %mul3A_1 = arith.constant 0.394784182 : f32
    %mul3A_2 = vector.broadcast %mul3A_1 : f32 to vector<640000xf32>
    %mul3A_3 = arith.mulf %mul3A_2, %mul3A : vector<640000xf32>
    %mul3A_4 = arith.constant -1.278710e-03 : f32
    %mul3A_5 = vector.broadcast %mul3A_4 : f32 to vector<640000xf32>
    %mul3A_6 = arith.mulf %mul3A_3, %mul3A_5 : vector<640000xf32>
    %add3A = arith.constant 0.0415117294 : f32
    %add3A_7 = vector.broadcast %add3A : f32 to vector<640000xf32>
    %add3A_8 = arith.addf %add3A_7, %mul3A_6 : vector<640000xf32>
    %mul3A_9 = arith.mulf %mul3A_3, %add3A_8 : vector<640000xf32>
    %add3A_10 = arith.constant -0.499930918 : f32
    %add3A_11 = vector.broadcast %add3A_10 : f32 to vector<640000xf32>
    %add3A_12 = arith.addf %add3A_11, %mul3A_9 : vector<640000xf32>
    %mul3A_13 = arith.mulf %mul3A_3, %add3A_12 : vector<640000xf32>
    %add3A_14 = arith.constant 0.999995291 : f32
    %add3A_15 = vector.broadcast %add3A_14 : f32 to vector<640000xf32>
    %add3A_16 = arith.addf %add3A_15, %mul3A_13 : vector<640000xf32>
    %lt3A = arith.constant 2.500000e+00 : f32
    %lt3A_17 = vector.broadcast %lt3A : f32 to vector<640000xf32>
    %lt3A_18 = arith.cmpf olt, %get3A_0, %lt3A_17 : vector<640000xf32>
    %mul3A_19 = arith.mulf %add3A_16, %add3A_16 : vector<640000xf32>
    %jit3A = arith.constant 0.000000e+00 : f32
    %broadcast_in_dim3A = vector.broadcast %jit3A : f32 to vector<640000xf32>
    %select_n3A = arith.select %lt3A_18, %mul3A_19, %broadcast_in_dim3A : vector<640000xi1>, vector<640000xf32>
    %rsqrt3A = math.rsqrt %mul3A : vector<640000xf32>
    %add3A_20 = arith.constant 1.000000e+00 : f32
    %add3A_21 = vector.broadcast %add3A_20 : f32 to vector<640000xf32>
    %add3A_22 = arith.addf %mul3A, %add3A_21 : vector<640000xf32>
    %rsqrt3A_23 = math.rsqrt %add3A_22 : vector<640000xf32>
    %sub3A = arith.subf %rsqrt3A_23, %rsqrt3A : vector<640000xf32>
    %mul3A_24 = arith.mulf %select_n3A, %sub3A : vector<640000xf32>
    %add3A_25 = arith.addf %rsqrt3A, %mul3A_24 : vector<640000xf32>
    %swap3A = arith.constant 0 : index
    %swap3A_26 = vector.load %arg2[%swap3A] : memref<640000xf32, #tpu.memory_space<vmem>>, vector<640000xf32>
    tpu.vector_store %arg2[%swap3A], %add3A_25 {strides = array<i32>} : memref<640000xf32, #tpu.memory_space<vmem>>, vector<640000xf32>,
    %eq3A = arith.constant 0 : i32
    %eq3A_27 = arith.cmpi eq, %arg0, %eq3A : i32
    %convert_element_type3A = arith.extui %eq3A_27 : i1 to i32
    %cond3A = arith.constant 0 : i32
    %cond3A_28 = arith.cmpi ne, %convert_element_type3A, %cond3A : i32
    scf.if %cond3A_28 {
      %swap3A_38 = arith.constant 0 : index
      %swap3A_39 = vector.load %arg4[%swap3A_38] : memref<640000xf32, #tpu.memory_space<vmem>>, vector<640000xf32>
      tpu.vector_store %arg4[%swap3A_38], %add3A_25 {strides = array<i32>} : memref<640000xf32, #tpu.memory_space<vmem>>, vector<640000xf32>,
    } else {
    }
    %gt3A = arith.constant 0 : i32
    %gt3A_29 = arith.cmpi sgt, %arg0, %gt3A : i32
    %convert_element_type3A_30 = arith.extui %gt3A_29 : i1 to i32
    %cond3A_31 = arith.constant 0 : i32
    %cond3A_32 = arith.cmpi ne, %convert_element_type3A_30, %cond3A_31 : i32
    scf.if %cond3A_32 {
      %get3A_38 = arith.constant 0 : index
      %get3A_39 = vector.load %arg4[%get3A_38] : memref<640000xf32, #tpu.memory_space<vmem>>, vector<640000xf32>
      %add3A_40 = arith.addf %get3A_39, %add3A_25 : vector<640000xf32>
      %swap3A_41 = arith.constant 0 : index
      %swap3A_42 = vector.load %arg4[%swap3A_41] : memref<640000xf32, #tpu.memory_space<vmem>>, vector<640000xf32>
      tpu.vector_store %arg4[%swap3A_41], %add3A_40 {strides = array<i32>} : memref<640000xf32, #tpu.memory_space<vmem>>, vector<640000xf32>,
    } else {
    }
    %eq3A_33 = arith.constant 9 : i32
    %eq3A_34 = arith.cmpi eq, %arg0, %eq3A_33 : i32
    %convert_element_type3A_35 = arith.extui %eq3A_34 : i1 to i32
    %cond3A_36 = arith.constant 0 : i32
    %cond3A_37 = arith.cmpi ne, %convert_element_type3A_35, %cond3A_36 : i32
    scf.if %cond3A_37 {
      %get3A_38 = arith.constant 0 : index
      %get3A_39 = vector.load %arg4[%get3A_38] : memref<640000xf32, #tpu.memory_space<vmem>>, vector<640000xf32>
      %reduce_sum3A = vector.shape_cast %get3A_39 : vector<640000xf32> to vector<1x640000xf32>
      %reduce_sum3A_40 = arith.constant dense<0.000000e+00> : vector<1xf32>
      %reduce_sum3A_41 = vector.multi_reduction <add>, %reduce_sum3A, %reduce_sum3A_40 [1] : vector<1x640000xf32> to vector<1xf32>
      %reduce_sum3A_42 = vector.shape_cast %reduce_sum3A_41 : vector<1xf32> to vector<1x1xf32>
      %reduce_sum3A_43 = vector.extract %reduce_sum3A_42[0, 0] : f32 from vector<1x1xf32>
      %swap3A_44 = arith.constant 0 : index
      %swap3A_45 = memref.load %arg3[%swap3A_44] : memref<1xf32, #tpu.memory_space<smem>>
      memref.store %reduce_sum3A_43, %arg3[%swap3A_44] : memref<1xf32, #tpu.memory_space<smem>>
    } else {
    }
    return
  }
  func.func @transform_0(%arg0: i32) -> i32 {
    %c0_i32 = arith.constant 0 : i32
    return %arg0 : i32
  }
  func.func @transform_1(%arg0: i32) -> i32 {
    %c0_i32 = arith.constant 0 : i32
    return %arg0 : i32
  }
  func.func @transform_2(%arg0: i32) -> i32 {
    %c0_i32 = arith.constant 0 : i32
    %c0_i32_0 = arith.constant 0 : i32
    return %c0_i32 : i32
  }
}

</mosaic_0001>

<sc_bundles>
// kernel: kernel.5.cloned.1.call-start
scs
__scs_entry_jumppad:
0x0: {  	(pc) =	sbr.rel $0x88, $3  }
0x1: {  	(tag) =	ssettag $0x0;
	lr =	simm.s32 $0x1  }
0x2: {  	[smem:$0x3F9E] =	sst lr;
	_ =	strace $0xD0000000  }
0x3: {  	_ = 	snop  }
0x4: {  	_ = 	snop  }
0x5: {  	_ = 	snop  }
0x6: {  	_ = 	snop  }
0x7: {  	_ = 	snop  }
__scs_overlays_trampoline_lowered:
0x8: {  	[smem:$0x3FAD] =	sst s0  }
0x9: {  	[smem:$0x3FAE] =	sst s1  }
0xa: {  	[smem:$0x3FAF] =	sst s2  }
0xb: {  	[smem:$0x3FB0] =	sst s3  }
0xc: {  	[smem:$0x3FB1] =	sst s4  }
0xd: {  	[smem:$0x3FB2] =	sst s5  }
0xe: {  	[smem:$0x3FB3] =	sst s6  }
0xf: {  	[smem:$0x3FB4] =	sst s7  }
0x10: {  	[smem:$0x3FB5] =	sst s8  }
0x11: {  	[smem:$0x3FB6] =	sst s9;
	s0 =	simm.s32 @!p0 $0x0  }
0x12: {  	s1 =	sld [smem:$0x3F9C];
	s0 =	simm.s32 @p0 $0x1  }
0x13: {  	[smem:$0x3FB7] =	sst s0;
	s0 =	simm.s32 @!p1 $0x0  }
0x14: {  	s2 =	sld [smem:$0x3F9B];
	s0 =	simm.s32 @p1 $0x1  }
0x15: {  	[smem:$0x3FB8] =	sst s0;
	s0 =	simm.s32 @!p2 $0x0  }
0x16: {  	s3 =	sld [smem:$0x3FDB];
	s0 =	simm.s32 @p2 $0x1  }
0x17: {  	s4 =	simm.s32 $0x1BF5;
	[smem:$0x3FBA] =	sst s0  }
0x18: {  	s0 =	sld [smem:$0x3F9D];
	_ =	swait.ge [sflag:s4], $0x0  }
0x19: {  	s7 =	sld [smem:$0x3F9E]  }
0x1a: {  	s8 =	sadd.s32 $0xFFFFE003, lr  }
0x1b: {  	s9 =	sadd.s32 $0xFFFFFEF7, lr;
	s5 =	simm.s32 $0xFFFFFFFF;
	p2 =	slt.u32 s8, $0xFFFFF086  }
0x1c: {  	p1 =	slt.u32 s9, $0xF7A;
	s5 =	simm.s32 @!p2 $0x0  }
0x1d: {  	s5 =	simm.s32 @p1 $0x1;
	p0 =	seq.s32 s7, s2  }
0x1e: {  	s7 =	smul.u32 @!p0 $0xF7A, s2;
	p2 =	seq.s32 @!p0 s5, $0x0  }
0x1f: {  	s9 =	smul.u32 $0xF7A, s1;
	s8 =	simm.s32 @!p0 $0x1BF5;
	p2 =	por !p2, p0  }
0x20: {  	[sflag:s8] =	ssyncset.s32 @!p0 $0xFFFFF086;
	s6 =	sadd.s32 @!p0 s3, s7;
	s7 =	simm.s32 @!p0 $0x108  }
0x21: {  	s3 =	sadd.s32 s3, s9;
	s6 =	sadd.s32 @!p0 $0x88, s6;
	s7 =	simm.s32 @p2 $0x1082  }
0x22: {  	[simem:s7], [sflag:s8] =	dma.local @!p0 [hbm:s6], $0xF7A  }
0x23: {  	s9 =	sor.u32 $0xD0000000, s2;
	s6 =	simm.s32 $0x108;
	_ =	swait.ge @!p0 [sflag:s8], $0x0  }
0x24: {  	s3 =	sadd.s32 $0x88, s3;
	s6 =	simm.s32 @!p1 $0x1082;
	[sflag:s4] =	ssyncset.s32 $0xFFFFF086  }
0x25: {  	[simem:s6], [sflag:s4] =	dma.local [hbm:s3], $0xF7A  }
0x26: {  	[smem:$0x3F9E] =	sst s1;
	(tag) =	ssettag s2;
	_ =	strace s9  }
0x27: {  	s1 =	sld [smem:$0x3FAE]  }
0x28: {  	s2 =	sld [smem:$0x3FAF]  }
0x29: {  	s4 =	sld [smem:$0x3FB1]  }
0x2a: {  	p0 =	seq.s32 s5, $0x0;
	s5 =	sld [smem:$0x3FB2]  }
0x2b: {  	s6 =	sld [smem:$0x3FB3]  }
0x2c: {  	s7 =	sld [smem:$0x3FB4]  }
0x2d: {  	s3 =	simm.s32 $0x108;
	s8 =	sld [smem:$0x3FB5]  }
0x2e: {  	s3 =	simm.s32 @!p0 $0x1082;
	s9 =	sld [smem:$0x3FB6]  }
0x2f: {  	lr =	sadd.s32 s0, s3;
	s0 =	sld [smem:$0x3FAD]  }
0x30: {  	s3 =	sld [smem:$0x3FB0]  }
0x31: {  	[smem:$0x3FB9] =	sst s10  }
0x32: {  	s10 =	sld [smem:$0x3FB7];
	_ =	sdelay $0x3  }
0x33: {  	p0 =	seq.s32 s10, $0x1;
	s10 =	sld [smem:$0x3FB9];
	_ =	sdelay $0x3  }
0x34: {  	[smem:$0x3FB9] =	sst s10  }
0x35: {  	s10 =	sld [smem:$0x3FB8];
	_ =	sdelay $0x3  }
0x36: {  	p1 =	seq.s32 s10, $0x1;
	s10 =	sld [smem:$0x3FB9];
	_ =	sdelay $0x3  }
0x37: {  	[smem:$0x3FB9] =	sst s10  }
0x38: {  	s10 =	sld [smem:$0x3FBA]  }
0x39: {  	_ = 	snop;
	(pc) =	sbr.ind lr, $3  }
0x3a: {  	_ = 	snop  }
0x3b: {  	_ = 	snop  }
0x3c: {  	p2 =	seq.s32 s10, $0x1;
	s10 =	sld [smem:$0x3FB9]  }
0x3d: {  	_ =	shalt  }
0x3e: {  	_ =	shalt  }
0x3f: {  	_ =	shalt  }
0x40: {  	_ =	shalt  }
0x41: {  	_ =	shalt  }
0x42: {  	_ =	shalt  }
0x43: {  	_ =	shalt  }
0x44: {  	_ =	shalt  }
0x45: {  	_ =	shalt  }
0x46: {  	_ =	shalt  }
0x47: {  	_ =	shalt  }
0x48: {  	_ =	shalt  }
0x49: {  	_ =	shalt  }
0x4a: {  	_ =	shalt  }
0x4b: {  	_ =	shalt  }
0x4c: {  	_ =	shalt  }
0x4d: {  	_ =	shalt  }
0x4e: {  	_ =	shalt  }
0x4f: {  	_ =	shalt  }
0x50: {  	_ =	shalt  }
0x51: {  	_ =	shalt  }
0x52: {  	_ =	shalt  }
0x53: {  	_ =	shalt  }
0x54: {  	_ =	shalt  }
0x55: {  	_ =	shalt  }
0x56: {  	_ =	shalt  }
0x57: {  	_ =	shalt  }
0x58: {  	_ =	shalt  }
0x59: {  	_ =	shalt  }
0x5a: {  	_ =	shalt  }
0x5b: {  	_ =	shalt  }
0x5c: {  	_ =	shalt  }
0x5d: {  	_ =	shalt  }
0x5e: {  	_ =	shalt  }
0x5f: {  	_ =	shalt  }
0x60: {  	_ =	shalt  }
0x61: {  	_ =	shalt  }
0x62: {  	_ =	shalt  }
0x63: {  	_ =	shalt  }
0x64: {  	_ =	shalt  }
0x65: {  	_ =	shalt  }
0x66: {  	_ =	shalt  }
0x67: {  	_ =	shalt  }
0x68: {  	_ =	shalt  }
0x69: {  	_ =	shalt  }
0x6a: {  	_ =	shalt  }
0x6b: {  	_ =	shalt  }
0x6c: {  	_ =	shalt  }
0x6d: {  	_ =	shalt  }
0x6e: {  	_ =	shalt  }
0x6f: {  	_ =	shalt  }
0x70: {  	_ =	shalt  }
0x71: {  	_ =	shalt  }
0x72: {  	_ =	shalt  }
0x73: {  	_ =	shalt  }
0x74: {  	_ =	shalt  }
0x75: {  	_ =	shalt  }
0x76: {  	_ =	shalt  }
0x77: {  	_ =	shalt  }
0x78: {  	_ =	shalt  }
0x79: {  	_ =	shalt  }
0x7a: {  	_ =	shalt  }
0x7b: {  	_ =	shalt  }
0x7c: {  	_ =	shalt  }
0x7d: {  	_ =	shalt  }
0x7e: {  	_ =	shalt  }
0x7f: {  	_ =	shalt  }
0x80: {  	_ =	shalt  }
0x81: {  	_ =	shalt  }
0x82: {  	_ =	shalt  }
0x83: {  	_ =	shalt  }
0x84: {  	_ =	shalt  }
0x85: {  	_ =	shalt  }
0x86: {  	_ =	shalt  }
0x87: {  	_ =	shalt  }
.Lfunc_end0:
.L_simem_size_0:
called_computation_lowered:
.L_overlay_start_0:
0x88: {  	s2 =	sld [smem:$0x3FD9]  }
0x89: {  	s3 =	sld [smem:$0x3FFE];
	_ =	sdelay $0x1  }
0x8a: {  	s1 =	srdreg.scid  }
0x8b: {  	s0 =	sand.u32 $0x1, s1  }
0x8c: {  	s17 =	sshll.u32 s0, $0xA;
	s2 =	sadd.s32 s3, s2  }
0x8d: {  	s2 =	sadd.s32 s2, s17  }
0x8e: {  	[smem:$0x3FC5] =	sst s2  }
0x8f: {  	_ = 	snop  }
0x90: {  	s2 =	sld [smem:$0x3FC8]  }
0x91: {  	s18 =	sld [smem:$0x3FD0];
	(tm) =	ssettm $0x1  }
0x92: {  	s4 =	sld [smem:$0x3FFB];
	_ =	sdelay $0x3  }
0x93: {  	_ =	strace s4  }
0x94: {  	s4 =	sld [smem:$0x3FFC];
	_ =	sdelay $0x3  }
0x95: {  	_ =	strace s4  }
0x96: {  	s4 =	sld [smem:$0x3FFD];
	_ =	sdelay $0x3  }
0x97: {  	_ =	strace s4  }
0x98: {  	_ =	strace $0x8FFFFFFF  }
0x99: {  	s19 =	sld [smem:$0x3FDB];
	_ =	sdelay $0x1  }
0x9a: {  	s5 =	simm.s32 $_scs_section_size  }
0x9b: {  	s6 =	simm.s32 $_size__tile_overlayer_lowered;
	s7 =	simm.s32 $_tile_overlayer_lowered  }
0x9c: {  	s22 =	simm.s32 $0x1BFF;
	s21 =	sshll.u32 s7, $0x1;
	s4 =	sadd.s32 s5, s19  }
0x9d: {  	s8 =	simm.s32 $0x0;
	s20 =	sshll.u32 s6, $0x1;
	s6 =	sadd.s32 s21, s4  }
0x9e: {  	[timem:s8], [sflag:s22] =	dma.local [hbm:s6], s20  }
0x9f: {  	_ =	swait.ge [sflag:s22], s20  }
0xa0: {  	s5 =	ssub.s32 $0x0, s20;
	[sflag:s22] =	ssyncset.done $0x0  }
0xa1: {  	[sflag:s22] =	ssyncadd.s32 s5;
	_ =	sdelay $0x1  }
0xa2: {  	s23 =	simm.s32 $0x1B8B  }
0xa3: {  	_ =	swait.ge [sflag:s23], $0x1  }
0xa4: {  	[sflag:s23] =	ssyncset.done $0x0  }
0xa5: {  	s25 =	simm.s32 $0x1B8E;
	s24 =	sld [smem:$0x3FFE];
	[sflag:s23] =	ssyncadd.s32 $0xFFFFFFFF  }
0xa6: {  	s26 =	simm.s32 $execute0_lowered;
	[smem:$0x3FD2] =	sst s25  }
0xa7: {  	s6 =	sshll.u32 s26, $0x1;
	_ =	strace $0x80000046;
	[dreg:$0x1] =	wrdreg $0xFFFFFFFF  }
0xa8: {  	s28 =	simm.s32 $_size_execute0_lowered;
	s4 =	sadd.s32 s4, s6;
	[dreg:$0x0] =	wrdreg $0x0  }
0xa9: {  	s6 =	sshll.u32 s28, $0x1;
	[dreg:$0x2] =	wrdreg s4  }
0xaa: {  	[dreg:$0x3] =	wrdreg s6  }
0xab: {  	[dreg:$0x4] =	wrdreg $0xC0  }
0xac: {  	_ =	task [dreg:s8], $0x5FFFF  }
0xad: {  	[dreg:$0x1] =	wrdreg $0xFFFFFFFF  }
0xae: {  	[dreg:$0x0] =	wrdreg $0x60  }
0xaf: {  	[dreg:$0x2] =	wrdreg s18  }
0xb0: {  	[dreg:$0x3] =	wrdreg s2  }
0xb1: {  	[dreg:$0x4] =	wrdreg s24  }
0xb2: {  	[dreg:$0x5] =	wrdreg $0x9  }
0xb3: {  	_ =	task.clear_ibuf [dreg:s8], $0x6FFFF;
	_ =	strace $0x90000046  }
0xb4: {  	s29 =	simm.s32 $0x9;
	_ =	strace $0x80000048  }
0xb5: {  	_ =	swait.ge [sflag:s29], $0x1  }
0xb6: {  	[sflag:s29] =	ssyncadd.s32 $0xFFFFFFFF  }
0xb7: {  	_ =	strace $0x90000048  }
0xb8: {  	_ =	sfence  }
0xb9: {  	s30 =	sld [smem:$0x0];
	_ =	sdelay $0x2  }
0xba: {  	s31 =	sshll.u32 s1, $0xD;
	s1 =	sshrl.u32 s1, $0x2  }
0xbb: {  	s3 =	sand.u32 $0x4000, s31;
	s1 =	sadd.s32 s1, s30  }
0xbc: {  	s0 =	sor.u32 s3, s0;
	s1 =	sshll.u32 s1, $0x11  }
0xbd: {  	s0 =	sor.u32 s1, s0  }
0xbe: {  	s0 =	sadd.s32 $0x8F2B, s0  }
0xbf: {  	[sflag:s0] =	ssyncadd.remote.s32 $0x1  }
0xc0: {  	_ =	sfence.sel $0xFFFF  }
0xc1: {  	[dreg:$0x0] =	wrdreg $0xFFFFFFFF;
	(pc) =	sbr.abs _section_cstart, $3  }
0xc2: {  	[dreg:$0x1] =	wrdreg $0xFFFFFFFF  }
0xc3: {  	_ =	task.clear_ibuf [dreg:s8], $0x2FFFF;
	_ =	strace $0x9FFFFFFF  }
0xc4: {  	(tm) =	ssettm $0x7FFFFFFF  }
0xc5: {  	_ =	shalt  }
tec
execute0_lowered:
.L_overlay_start_1:
0x0: {  	(tag) =	ssettag $0x1  }
0x1: {  	s1 =	rddreg [dreg:$0x0]  }
0x2: {  	s3 =	rddreg [dreg:$0x1];
	s2 =	srdreg.scid  }
0x3: {  	s0 =	stileid.u32;
	s5 =	rddreg [dreg:$0x2];
	s4 =	simm.s32 $0x0  }
0x4: {  	s11 =	simm.s32 $0x5;
	s12 =	simm.s32 $0x1AF00;
	s13 =	simm.s32 $0x1  }
0x5: {  	s14 =	simm.s32 $0x2;
	s15 =	simm.s32 $0x4;
	s16 =	simm.s32 $0x3  }
0x6: {  	s6 =	sand.u32 $0x1, s2;
	s7 =	sshll.u32 s0, $0x1;
	s2 =	rddreg [dreg:$0x3]  }
0x7: {  	s17 =	simm.s32 $0x0;
	[smem:$0x7FF] =	sst s4;
	s7 =	sor.u32 s6, s7  }
0x8: {  	s5 =	sadd.s32 $0x200, s5;
	p0 =	slt.u32 s0, $0x8;
	s8 =	smul.u32 $0x61A, s7  }
0x9: {  	_ =	strace $0x80000047;
	s9 =	ssub.s32 $0x2, s6;
	s31 =	smin.u32 s7, $0x10  }
0xa: {  	s10 =	sshrl.u32 s9, $0x1;
	s7 =	simm.s32 $0x5F3;
	s6 =	sadd.s32 s31, s8  }
0xb: {  	s9 =	ssub.s32 s9, s10;
	s7 =	simm.s32 @!p0 $0x5F2;
	s8 =	sshll.u32 s6, $0x5  }
0xc: {  	s10 =	simm.s32 $0x18700;
	s9 =	smax.u32 s9, $0x1;
	s8 =	sadd.s32 s3, s8  }
.LBB2_1:
0xd: {  	[tilespmem:s10], [sflag:$0x1] =	stream.linear.gather [hbm4b:s8+s4], $0x2800, $0x38;
	[tilespmem:$0x1FF00] =	vst v63  }
0xe: {  	_ = 	snop  }
0xf: {  	[tilespmem:s4], [sflag:$0x5] =	stream.linear.gather [hbm4b:s1+s4], $0x18700, $0x38;
	[tilespmem:$0x1FF00] =	vst v63  }
0x10: {  	_ =	swait.ge [sflag:s11], $0x18700  }
0x11: {  	[sflag:s11] =	ssyncset.done $0x0  }
0x12: {  	s18 =	simm.s32 $0x0;
	[sflag:s11] =	ssyncadd.s32 $0xFFFE7900  }
.LBB2_2:
0x13: {  	s20 =	smul.u32 $0x50, s18;
	_ =	sdelay $0x1  }
0x14: {  	s19 =	sadd.s32 $0x28, s20  }
0x15: {  	s21 =	smov.u32 s7;
	p0 =	slt.s32 s19, s7  }
0x16: {  	s21 =	smov.u32 @p0 s19  }
0x17: {  	s19 =	sadd.s32 s6, s21  }
0x18: {  	s21 =	sshll.u32 s19, $0x5  }
0x19: {  	s21 =	sand.u32 $0x1FFFFFE0, s21  }
0x1a: {  	s21 =	sadd.s32 s3, s21  }
0x1b: {  	[tilespmem:s12], [sflag:$0x2] =	stream.linear.gather [hbm4b:s21+s4], $0x2800, $0x38;
	[tilespmem:$0x1FF00] =	vst v63  }
0x1c: {  	_ =	swait.ge [sflag:s13], $0x2800  }
0x1d: {  	p0 =	seq.s32 s18, $0x0;
	[sflag:s13] =	ssyncset.done $0x0  }
0x1e: {  	s21 =	simm.s32 @!p0 $0x3;
	[sflag:s13] =	ssyncadd.s32 $0xFFFFD800  }
0x1f: {  	_ =	swait.ge @!p0 [sflag:s21], $0x1400  }
0x20: {  	[sflag:s21] =	ssyncset.done @!p0 $0x0  }
0x21: {  	s31 =	simm.s32 $0x18800;
	[sflag:s21] =	ssyncadd.s32 @!p0 $0xFFFFEC00  }
0x22: {  	v0 =	vld [tilespmem:s31+$0x70]  }
0x23: {  	v1 =	vld [tilespmem:s31+$0xF0]  }
0x24: {  	v2 =	vld [tilespmem:s31+$0xFFFFFF80]  }
0x25: {  	v3 =	vld [tilespmem:s31+$0xFFFFFF10]  }
0x26: {  	v4 =	vld [tilespmem:s31+$0xFFFFFF90]  }
0x27: {  	v5 =	vld [tilespmem:s31+$0xFFFFFF20]  }
0x28: {  	v6 =	vld [tilespmem:s31+$0xFFFFFFA0]  }
0x29: {  	v7 =	vld [tilespmem:s31+$0xFFFFFF30]  }
0x2a: {  	v8 =	vld [tilespmem:s31+$0xFFFFFFB0]  }
0x2b: {  	v9 =	vld [tilespmem:s31+$0xFFFFFF40]  }
0x2c: {  	v10 =	vld [tilespmem:s31+$0xFFFFFFC0]  }
0x2d: {  	v11 =	vld [tilespmem:s31+$0xFFFFFF50]  }
0x2e: {  	v12 =	vld [tilespmem:s31+$0xFFFFFFD0]  }
0x2f: {  	v13 =	vld [tilespmem:s31+$0xFFFFFF60]  }
0x30: {  	v14 =	vld [tilespmem:s31+$0xFFFFFFE0]  }
0x31: {  	v15 =	vld [tilespmem:s31+$0xFFFFFF70]  }
0x32: {  	v16 =	vld [tilespmem:s31+$0xFFFFFFF0]  }
0x33: {  	v17 =	vld [tilespmem:s31+$0x0]  }
0x34: {  	v18 =	vld [tilespmem:s31+$0x80]  }
0x35: {  	v19 =	vld [tilespmem:s31+$0x10]  }
0x36: {  	v20 =	vld [tilespmem:s31+$0x90]  }
0x37: {  	v21 =	vld [tilespmem:s31+$0x20]  }
0x38: {  	v22 =	vld [tilespmem:s31+$0xA0]  }
0x39: {  	v23 =	vld [tilespmem:s31+$0x30]  }
0x3a: {  	v24 =	vld [tilespmem:s31+$0xB0]  }
0x3b: {  	v25 =	vld [tilespmem:s31+$0x40]  }
0x3c: {  	v26 =	vld [tilespmem:s31+$0xC0]  }
0x3d: {  	v27 =	vld [tilespmem:s31+$0x50]  }
0x3e: {  	v28 =	vld [tilespmem:s31+$0xD0]  }
0x3f: {  	v29 =	vld [tilespmem:s31+$0x60]  }
0x40: {  	v30 =	vld [tilespmem:s31+$0xE0]  }
0x41: {  	v31 =	vld [tilespmem:s31+$0xFFFFFF00]  }
0x42: {  	v0 =	vld.idx.msk [tilespmem:v0+s4+$0x0], $0xffff  }
0x43: {  	v1 =	vld.idx.msk [tilespmem:v1+s4+$0x0], $0xffff  }
0x44: {  	v2 =	vld.idx.msk [tilespmem:v2+s4+$0x0], $0xffff  }
0x45: {  	v3 =	vld.idx.msk [tilespmem:v3+s4+$0x0], $0xffff  }
0x46: {  	v4 =	vld.idx.msk [tilespmem:v4+s4+$0x0], $0xffff  }
0x47: {  	v5 =	vld.idx.msk [tilespmem:v5+s4+$0x0], $0xffff  }
0x48: {  	v6 =	vld.idx.msk [tilespmem:v6+s4+$0x0], $0xffff  }
0x49: {  	v7 =	vld.idx.msk [tilespmem:v7+s4+$0x0], $0xffff  }
0x4a: {  	v8 =	vld.idx.msk [tilespmem:v8+s4+$0x0], $0xffff  }
0x4b: {  	v31 =	vld.idx.msk [tilespmem:v31+s4+$0x0], $0xffff  }
0x4c: {  	v9 =	vld.idx.msk [tilespmem:v9+s4+$0x0], $0xffff  }
0x4d: {  	v10 =	vld.idx.msk [tilespmem:v10+s4+$0x0], $0xffff  }
0x4e: {  	v11 =	vld.idx.msk [tilespmem:v11+s4+$0x0], $0xffff  }
0x4f: {  	v12 =	vld.idx.msk [tilespmem:v12+s4+$0x0], $0xffff  }
0x50: {  	v15 =	vld.idx.msk [tilespmem:v15+s4+$0x0], $0xffff  }
0x51: {  	v16 =	vld.idx.msk [tilespmem:v16+s4+$0x0], $0xffff  }
0x52: {  	v13 =	vld.idx.msk [tilespmem:v13+s4+$0x0], $0xffff  }
0x53: {  	v14 =	vld.idx.msk [tilespmem:v14+s4+$0x0], $0xffff  }
0x54: {  	v62 =	vld.idx.msk [tilespmem:v24+s4+$0x0], $0xffff;
	v0 =	vmul.f32 v1, v0  }
0x55: {  	s21 =	simm.s32 $0x1D800;
	v1 =	vld.idx.msk [tilespmem:v17+s4+$0x0], $0xffff;
	v3 =	vmul.f32 v4, v3  }
0x56: {  	v4 =	vld.idx.msk [tilespmem:v18+s4+$0x0], $0xffff;
	v63 =	vmul.f32 v16, v15;
	[tilespmem:s21+$0x70] =	vst v0  }
0x57: {  	v0 =	vmul.f32 v6, v5;
	v5 =	vld.idx.msk [tilespmem:v19+s4+$0x0], $0xffff;
	[tilespmem:s21+$0xFFFFFF10] =	vst v3  }
0x58: {  	v3 =	vmul.f32 v8, v7;
	v6 =	vld.idx.msk [tilespmem:v20+s4+$0x0], $0xffff;
	[tilespmem:s21+$0xFFFFFF70] =	vst v63  }
0x59: {  	v7 =	vld.idx.msk [tilespmem:v22+s4+$0x0], $0xffff;
	[tilespmem:s21+$0xFFFFFF20] =	vst v0;
	v0 =	vmul.f32 v2, v31  }
0x5a: {  	v2 =	vld.idx.msk [tilespmem:v21+s4+$0x0], $0xffff;
	[tilespmem:s21+$0xFFFFFF30] =	vst v3;
	v3 =	vmul.f32 v10, v9  }
0x5b: {  	v8 =	vld.idx.msk [tilespmem:v23+s4+$0x0], $0xffff;
	[tilespmem:s21+$0xFFFFFF00] =	vst v0;
	v0 =	vmul.f32 v12, v11  }
0x5c: {  	v4 =	vmul.f32 v4, v1;
	v1 =	vld.idx.msk [tilespmem:v27+s4+$0x0], $0xffff;
	[tilespmem:s21+$0xFFFFFF40] =	vst v3;
	v3 =	vmul.f32 v14, v13  }
0x5d: {  	[tilespmem:s21+$0xFFFFFF50] =	vst v0;
	v0 =	vld.idx.msk [tilespmem:v25+s4+$0x0], $0xffff  }
0x5e: {  	v5 =	vmul.f32 v6, v5;
	[tilespmem:s21+$0xFFFFFF60] =	vst v3;
	v3 =	vld.idx.msk [tilespmem:v26+s4+$0x0], $0xffff  }
0x5f: {  	[tilespmem:s21+$0x0] =	vst v4;
	v4 =	vld.idx.msk [tilespmem:v28+s4+$0x0], $0xffff;
	v6 =	vmul.f32 v7, v2  }
0x60: {  	[tilespmem:s21+$0x10] =	vst v5;
	v2 =	vld.idx.msk [tilespmem:v29+s4+$0x0], $0xffff  }
0x61: {  	s23 =	simm.s32 $0x0;
	s24 =	simm.s32 $0x18A00;
	s22 =	sadd.s32 s6, s20;
	v5 =	vld.idx.msk [tilespmem:v30+s4+$0x0], $0xffff;
	[tilespmem:s21+$0x20] =	vst v6;
	v6 =	vmul.f32 v62, v8  }
.LBB2_3:
0x62: {  	v7 =	vld [tilespmem:s24+$0x70]  }
0x63: {  	s23 =	sadd.s32 $0x100, s23;
	v0 =	vmul.f32 v3, v0;
	v8 =	vld [tilespmem:s24+$0xF0];
	[tilespmem:s21+$0x30] =	vst v6  }
0x64: {  	p1 =	slt.u32 s23, $0x1300;
	v3 =	vld [tilespmem:s24+$0xFFFFFF80]  }
0x65: {  	v6 =	vld [tilespmem:s24+$0xFFFFFF10];
	[tilespmem:s21+$0x40] =	vst v0;
	v0 =	vmul.f32 v4, v1  }
0x66: {  	v1 =	vld [tilespmem:s24+$0xFFFFFF90]  }
0x67: {  	v4 =	vld [tilespmem:s24+$0xFFFFFF20];
	[tilespmem:s21+$0x50] =	vst v0;
	v0 =	vmul.f32 v5, v2  }
0x68: {  	v2 =	vld [tilespmem:s24+$0xFFFFFFA0]  }
0x69: {  	v5 =	vld [tilespmem:s24+$0xFFFFFF30];
	[tilespmem:s21+$0x60] =	vst v0  }
0x6a: {  	v0 =	vld.idx.msk [tilespmem:v7+s4+$0x0], $0xffff  }
0x6b: {  	v7 =	vld.idx.msk [tilespmem:v8+s4+$0x0], $0xffff  }
0x6c: {  	v8 =	vld [tilespmem:s24+$0xFFFFFFB0]  }
0x6d: {  	v9 =	vld [tilespmem:s24+$0xFFFFFF40]  }
0x6e: {  	v10 =	vld [tilespmem:s24+$0xFFFFFFC0]  }
0x6f: {  	v11 =	vld [tilespmem:s24+$0xFFFFFF50]  }
0x70: {  	v12 =	vld [tilespmem:s24+$0xFFFFFFD0]  }
0x71: {  	v0 =	vmul.f32 v7, v0;
	v13 =	vld [tilespmem:s24+$0xFFFFFF60]  }
0x72: {  	s21 =	sadd.s32 $0x200, s21;
	v7 =	vld [tilespmem:s24+$0xFFFFFFE0]  }
0x73: {  	v14 =	vld [tilespmem:s24+$0xFFFFFF70];
	[tilespmem:s21+$0x70] =	vst v0  }
0x74: {  	v0 =	vld [tilespmem:s24+$0xFFFFFFF0]  }
0x75: {  	v15 =	vld [tilespmem:s24+$0x0]  }
0x76: {  	v16 =	vld [tilespmem:s24+$0x80]  }
0x77: {  	v17 =	vld [tilespmem:s24+$0x10]  }
0x78: {  	v18 =	vld [tilespmem:s24+$0x90]  }
0x79: {  	v19 =	vld [tilespmem:s24+$0x20]  }
0x7a: {  	v20 =	vld [tilespmem:s24+$0xA0]  }
0x7b: {  	v21 =	vld [tilespmem:s24+$0x30]  }
0x7c: {  	v22 =	vld [tilespmem:s24+$0xB0]  }
0x7d: {  	v23 =	vld [tilespmem:s24+$0x40]  }
0x7e: {  	v24 =	vld [tilespmem:s24+$0xC0]  }
0x7f: {  	v25 =	vld [tilespmem:s24+$0x50]  }
0x80: {  	v26 =	vld [tilespmem:s24+$0xD0]  }
0x81: {  	v27 =	vld [tilespmem:s24+$0x60]  }
0x82: {  	v28 =	vld [tilespmem:s24+$0xE0]  }
0x83: {  	v29 =	vld [tilespmem:s24+$0xFFFFFF00]  }
0x84: {  	v3 =	vld.idx.msk [tilespmem:v3+s4+$0x0], $0xffff  }
0x85: {  	v6 =	vld.idx.msk [tilespmem:v6+s4+$0x0], $0xffff  }
0x86: {  	v1 =	vld.idx.msk [tilespmem:v1+s4+$0x0], $0xffff  }
0x87: {  	v4 =	vld.idx.msk [tilespmem:v4+s4+$0x0], $0xffff  }
0x88: {  	v2 =	vld.idx.msk [tilespmem:v2+s4+$0x0], $0xffff  }
0x89: {  	v5 =	vld.idx.msk [tilespmem:v5+s4+$0x0], $0xffff  }
0x8a: {  	v8 =	vld.idx.msk [tilespmem:v8+s4+$0x0], $0xffff  }
0x8b: {  	v29 =	vld.idx.msk [tilespmem:v29+s4+$0x0], $0xffff  }
0x8c: {  	v1 =	vmul.f32 v1, v6;
	v6 =	vld.idx.msk [tilespmem:v9+s4+$0x0], $0xffff  }
0x8d: {  	v9 =	vld.idx.msk [tilespmem:v10+s4+$0x0], $0xffff  }
0x8e: {  	[tilespmem:s21+$0xFFFFFF10] =	vst v1;
	v1 =	vmul.f32 v2, v4;
	v2 =	vld.idx.msk [tilespmem:v11+s4+$0x0], $0xffff  }
0x8f: {  	v4 =	vld.idx.msk [tilespmem:v12+s4+$0x0], $0xffff  }
0x90: {  	[tilespmem:s21+$0xFFFFFF20] =	vst v1;
	v1 =	vmul.f32 v8, v5;
	v5 =	vld.idx.msk [tilespmem:v13+s4+$0x0], $0xffff  }
0x91: {  	v3 =	vmul.f32 v3, v29;
	v7 =	vld.idx.msk [tilespmem:v7+s4+$0x0], $0xffff  }
0x92: {  	[tilespmem:s21+$0xFFFFFF30] =	vst v1;
	v1 =	vld.idx.msk [tilespmem:v14+s4+$0x0], $0xffff  }
0x93: {  	[tilespmem:s21+$0xFFFFFF00] =	vst v3;
	v3 =	vmul.f32 v9, v6;
	v0 =	vld.idx.msk [tilespmem:v0+s4+$0x0], $0xffff  }
0x94: {  	v6 =	vld.idx.msk [tilespmem:v15+s4+$0x0], $0xffff  }
0x95: {  	v2 =	vmul.f32 v4, v2;
	[tilespmem:s21+$0xFFFFFF40] =	vst v3;
	v3 =	vld.idx.msk [tilespmem:v16+s4+$0x0], $0xffff  }
0x96: {  	v4 =	vld.idx.msk [tilespmem:v17+s4+$0x0], $0xffff  }
0x97: {  	[tilespmem:s21+$0xFFFFFF50] =	vst v2;
	v2 =	vmul.f32 v7, v5;
	v5 =	vld.idx.msk [tilespmem:v18+s4+$0x0], $0xffff  }
0x98: {  	v7 =	vld.idx.msk [tilespmem:v19+s4+$0x0], $0xffff  }
0x99: {  	v0 =	vmul.f32 v0, v1;
	[tilespmem:s21+$0xFFFFFF60] =	vst v2;
	v2 =	vld.idx.msk [tilespmem:v20+s4+$0x0], $0xffff  }
0x9a: {  	v8 =	vld.idx.msk [tilespmem:v21+s4+$0x0], $0xffff  }
0x9b: {  	v1 =	vmul.f32 v3, v6;
	[tilespmem:s21+$0xFFFFFF70] =	vst v0;
	v6 =	vld.idx.msk [tilespmem:v22+s4+$0x0], $0xffff  }
0x9c: {  	v0 =	vld.idx.msk [tilespmem:v23+s4+$0x0], $0xffff  }
.Ltmp0:
0x9d: {  	v4 =	vmul.f32 v5, v4;
	[tilespmem:s21+$0x0] =	vst v1;
	v3 =	vld.idx.msk [tilespmem:v24+s4+$0x0], $0xffff;
	(pc) =	sbr.rel @p1 .LBB2_3-.Ltmp0, $4  }
0x9e: {  	v1 =	vld.idx.msk [tilespmem:v25+s4+$0x0], $0xffff  }
0x9f: {  	v5 =	vmul.f32 v2, v7;
	[tilespmem:s21+$0x10] =	vst v4;
	v4 =	vld.idx.msk [tilespmem:v26+s4+$0x0], $0xffff  }
0xa0: {  	v2 =	vld.idx.msk [tilespmem:v27+s4+$0x0], $0xffff  }
0xa1: {  	s24 =	sadd.s32 $0x200, s24;
	v6 =	vmul.f32 v6, v8;
	[tilespmem:s21+$0x20] =	vst v5;
	v5 =	vld.idx.msk [tilespmem:v28+s4+$0x0], $0xffff  }
0xa2: {  	_ =	sdelay $0x1  }
0xa3: {  	v0 =	vmul.f32 v3, v0  }
0xa4: {  	s22 =	sshll.u32 s22, $0x4;
	[tilespmem:s21+$0x30] =	vst v6;
	v1 =	vmul.f32 v4, v1  }
0xa5: {  	s22 =	sand.u32 $0x1FFFFFF0, s22;
	[tilespmem:s21+$0x40] =	vst v0;
	v63 =	vmul.f32 v5, v2  }
0xa6: {  	s23 =	simm.s32 $0x1D700;
	s22 =	sadd.s32 s5, s22;
	[tilespmem:s21+$0x50] =	vst v1  }
0xa7: {  	s24 =	simm.s32 $0x1D800;
	s25 =	sadd.s32 $0x0, s22;
	[tilespmem:s21+$0x60] =	vst v63;
	s21 =	simm.s32 $0x10  }
.LBB2_5:
0xa8: {  	[hbm4b:s25+s4] =	stream.linear.scatter [tilespmem:s23], [sflag:$0x3], $0x80, $0x38;
	[tilespmem:$0x1FF00] =	vst v63  }
0xa9: {  	s25 =	smov.u32 s21;
	s23 =	smov.u32 s24;
	p1 =	sne.s32 s21, $0x270  }
.Ltmp1:
0xaa: {  	s21 =	sadd.s32 $0x10, s21;
	(pc) =	sbr.rel @p1 .LBB2_5-.Ltmp1, $2  }
0xab: {  	_ =	sdelay $0x2  }
0xac: {  	s24 =	sadd.s32 $0x100, s24;
	s25 =	sadd.s32 s25, s22  }
0xad: {  	p1 =	sne.s32 s18, $0x13  }
.Ltmp2:
0xae: {  	_ = 	snop;
	(pc) =	sbr.rel @p1 .LBB2_8-.Ltmp2, $2  }
0xaf: {  	_ =	sdelay $0x2  }
0xb0: {  	[hbm4b:s25+s4] =	stream.linear.scatter [tilespmem:s23], [sflag:$0x3], $0x80, $0x38;
	[tilespmem:$0x1FF00] =	vst v63  }
.Ltmp3:
0xb1: {  	(pc) =	sbr.rel .LBB2_9-.Ltmp3, $4  }
0xb2: {  	_ = 	snop  }
0xb3: {  	_ =	swait.ge [sflag:s14], $0x2800  }
0xb4: {  	[sflag:s14] =	ssyncset.done $0x0  }
0xb5: {  	[sflag:s14] =	ssyncadd.s32 $0xFFFFD800  }
.LBB2_8:
0xb6: {  	s20 =	sadd.s32 $0x50, s20  }
0xb7: {  	s21 =	smov.u32 s7;
	p1 =	slt.s32 s20, s7  }
0xb8: {  	s21 =	smov.u32 @p1 s20  }
0xb9: {  	s20 =	sadd.s32 s6, s21  }
0xba: {  	s20 =	sshll.u32 s20, $0x5  }
0xbb: {  	s20 =	sand.u32 $0x1FFFFFE0, s20  }
.Ltmp4:
0xbc: {  	s20 =	sadd.s32 s3, s20;
	(pc) =	sbr.rel @p0 .LBB2_10-.Ltmp4, $4  }
0xbd: {  	[tilespmem:s10], [sflag:$0x1] =	stream.linear.gather [hbm4b:s20+s4], $0x2800, $0x38;
	[tilespmem:$0x1FF00] =	vst v63  }
0xbe: {  	_ =	swait.ge [sflag:s14], $0x2800  }
0xbf: {  	[sflag:s14] =	ssyncset.done $0x0  }
0xc0: {  	[sflag:s14] =	ssyncadd.s32 $0xFFFFD800  }
.LBB2_9:
0xc1: {  	_ =	swait.ge [sflag:s15], $0x1400  }
0xc2: {  	[sflag:s15] =	ssyncset.done $0x0  }
0xc3: {  	[sflag:s15] =	ssyncadd.s32 $0xFFFFEC00  }
.LBB2_10:
0xc4: {  	s20 =	simm.s32 $0x1B0F0  }
0xc5: {  	v0 =	vld [tilespmem:s20+$0xFFFFFF80]  }
0xc6: {  	v1 =	vld [tilespmem:s20+$0x0]  }
0xc7: {  	v2 =	vld [tilespmem:s20+$0xFFFFFE90]  }
0xc8: {  	v3 =	vld [tilespmem:s20+$0xFFFFFE20]  }
0xc9: {  	v4 =	vld [tilespmem:s20+$0xFFFFFEA0]  }
0xca: {  	v5 =	vld [tilespmem:s20+$0xFFFFFE30]  }
0xcb: {  	v6 =	vld [tilespmem:s20+$0xFFFFFEB0]  }
0xcc: {  	v7 =	vld [tilespmem:s20+$0xFFFFFE40]  }
0xcd: {  	v8 =	vld [tilespmem:s20+$0xFFFFFEC0]  }
0xce: {  	v9 =	vld [tilespmem:s20+$0xFFFFFE50]  }
0xcf: {  	v10 =	vld [tilespmem:s20+$0xFFFFFED0]  }
0xd0: {  	v11 =	vld [tilespmem:s20+$0xFFFFFE60]  }
0xd1: {  	v12 =	vld [tilespmem:s20+$0xFFFFFEE0]  }
0xd2: {  	v13 =	vld [tilespmem:s20+$0xFFFFFE70]  }
0xd3: {  	v14 =	vld [tilespmem:s20+$0xFFFFFEF0]  }
0xd4: {  	v15 =	vld [tilespmem:s20+$0xFFFFFE80]  }
0xd5: {  	v16 =	vld [tilespmem:s20+$0xFFFFFF00]  }
0xd6: {  	v17 =	vld [tilespmem:s20+$0xFFFFFF10]  }
0xd7: {  	v18 =	vld [tilespmem:s20+$0xFFFFFF90]  }
0xd8: {  	v19 =	vld [tilespmem:s20+$0xFFFFFF20]  }
0xd9: {  	v20 =	vld [tilespmem:s20+$0xFFFFFFA0]  }
0xda: {  	v21 =	vld [tilespmem:s20+$0xFFFFFF30]  }
0xdb: {  	v22 =	vld [tilespmem:s20+$0xFFFFFFB0]  }
0xdc: {  	v23 =	vld [tilespmem:s20+$0xFFFFFF40]  }
0xdd: {  	v24 =	vld [tilespmem:s20+$0xFFFFFFC0]  }
0xde: {  	v25 =	vld [tilespmem:s20+$0xFFFFFF50]  }
0xdf: {  	v26 =	vld [tilespmem:s20+$0xFFFFFFD0]  }
0xe0: {  	v27 =	vld [tilespmem:s20+$0xFFFFFF60]  }
0xe1: {  	v28 =	vld [tilespmem:s20+$0xFFFFFFE0]  }
0xe2: {  	v29 =	vld [tilespmem:s20+$0xFFFFFF70]  }
0xe3: {  	v30 =	vld [tilespmem:s20+$0xFFFFFFF0]  }
0xe4: {  	v31 =	vld [tilespmem:s20+$0xFFFFFE10]  }
0xe5: {  	v0 =	vld.idx.msk [tilespmem:v0+s4+$0x0], $0xffff  }
0xe6: {  	v1 =	vld.idx.msk [tilespmem:v1+s4+$0x0], $0xffff  }
0xe7: {  	v2 =	vld.idx.msk [tilespmem:v2+s4+$0x0], $0xffff  }
0xe8: {  	v3 =	vld.idx.msk [tilespmem:v3+s4+$0x0], $0xffff  }
0xe9: {  	v4 =	vld.idx.msk [tilespmem:v4+s4+$0x0], $0xffff  }
0xea: {  	v5 =	vld.idx.msk [tilespmem:v5+s4+$0x0], $0xffff  }
0xeb: {  	v6 =	vld.idx.msk [tilespmem:v6+s4+$0x0], $0xffff  }
0xec: {  	v7 =	vld.idx.msk [tilespmem:v7+s4+$0x0], $0xffff  }
0xed: {  	v8 =	vld.idx.msk [tilespmem:v8+s4+$0x0], $0xffff  }
0xee: {  	v31 =	vld.idx.msk [tilespmem:v31+s4+$0x0], $0xffff  }
0xef: {  	v9 =	vld.idx.msk [tilespmem:v9+s4+$0x0], $0xffff  }
0xf0: {  	v10 =	vld.idx.msk [tilespmem:v10+s4+$0x0], $0xffff  }
0xf1: {  	v11 =	vld.idx.msk [tilespmem:v11+s4+$0x0], $0xffff  }
0xf2: {  	v12 =	vld.idx.msk [tilespmem:v12+s4+$0x0], $0xffff  }
0xf3: {  	v15 =	vld.idx.msk [tilespmem:v15+s4+$0x0], $0xffff  }
0xf4: {  	v16 =	vld.idx.msk [tilespmem:v16+s4+$0x0], $0xffff  }
0xf5: {  	v13 =	vld.idx.msk [tilespmem:v13+s4+$0x0], $0xffff  }
0xf6: {  	v14 =	vld.idx.msk [tilespmem:v14+s4+$0x0], $0xffff  }
0xf7: {  	v62 =	vld.idx.msk [tilespmem:v24+s4+$0x0], $0xffff;
	v0 =	vmul.f32 v1, v0  }
0xf8: {  	s20 =	simm.s32 $0x1D880;
	v1 =	vld.idx.msk [tilespmem:v17+s4+$0x0], $0xffff;
	v3 =	vmul.f32 v4, v3  }
0xf9: {  	v4 =	vld.idx.msk [tilespmem:v18+s4+$0x0], $0xffff;
	v63 =	vmul.f32 v16, v15;
	[tilespmem:s20+$0x70] =	vst v0  }
0xfa: {  	v0 =	vmul.f32 v6, v5;
	v5 =	vld.idx.msk [tilespmem:v19+s4+$0x0], $0xffff;
	[tilespmem:s20+$0xFFFFFF10] =	vst v3  }
0xfb: {  	v3 =	vmul.f32 v8, v7;
	v6 =	vld.idx.msk [tilespmem:v20+s4+$0x0], $0xffff;
	[tilespmem:s20+$0xFFFFFF70] =	vst v63  }
0xfc: {  	v7 =	vld.idx.msk [tilespmem:v22+s4+$0x0], $0xffff;
	[tilespmem:s20+$0xFFFFFF20] =	vst v0;
	v0 =	vmul.f32 v2, v31  }
0xfd: {  	v2 =	vld.idx.msk [tilespmem:v21+s4+$0x0], $0xffff;
	[tilespmem:s20+$0xFFFFFF30] =	vst v3;
	v3 =	vmul.f32 v10, v9  }
0xfe: {  	v8 =	vld.idx.msk [tilespmem:v23+s4+$0x0], $0xffff;
	[tilespmem:s20+$0xFFFFFF00] =	vst v0;
	v0 =	vmul.f32 v12, v11  }
0xff: {  	v4 =	vmul.f32 v4, v1;
	v1 =	vld.idx.msk [tilespmem:v27+s4+$0x0], $0xffff;
	[tilespmem:s20+$0xFFFFFF40] =	vst v3;
	v3 =	vmul.f32 v14, v13  }
0x100: {  	[tilespmem:s20+$0xFFFFFF50] =	vst v0;
	v0 =	vld.idx.msk [tilespmem:v25+s4+$0x0], $0xffff  }
0x101: {  	v5 =	vmul.f32 v6, v5;
	[tilespmem:s20+$0xFFFFFF60] =	vst v3;
	v3 =	vld.idx.msk [tilespmem:v26+s4+$0x0], $0xffff  }
0x102: {  	[tilespmem:s20+$0x0] =	vst v4;
	v4 =	vld.idx.msk [tilespmem:v28+s4+$0x0], $0xffff;
	v6 =	vmul.f32 v7, v2  }
0x103: {  	[tilespmem:s20+$0x10] =	vst v5;
	v2 =	vld.idx.msk [tilespmem:v29+s4+$0x0], $0xffff  }
0x104: {  	s21 =	simm.s32 $0x0;
	s22 =	simm.s32 $0x1B2F0;
	v5 =	vld.idx.msk [tilespmem:v30+s4+$0x0], $0xffff;
	[tilespmem:s20+$0x20] =	vst v6;
	v6 =	vmul.f32 v62, v8  }
.LBB2_11:
0x105: {  	v7 =	vld [tilespmem:s22+$0xFFFFFF80]  }
0x106: {  	s21 =	sadd.s32 $0x100, s21;
	v0 =	vmul.f32 v3, v0;
	v8 =	vld [tilespmem:s22+$0x0];
	[tilespmem:s20+$0x30] =	vst v6  }
0x107: {  	p0 =	slt.u32 s21, $0x1300;
	v3 =	vld [tilespmem:s22+$0xFFFFFE90]  }
0x108: {  	v6 =	vld [tilespmem:s22+$0xFFFFFE20];
	[tilespmem:s20+$0x40] =	vst v0;
	v0 =	vmul.f32 v4, v1  }
0x109: {  	v1 =	vld [tilespmem:s22+$0xFFFFFEA0]  }
0x10a: {  	v4 =	vld [tilespmem:s22+$0xFFFFFE30];
	[tilespmem:s20+$0x50] =	vst v0;
	v0 =	vmul.f32 v5, v2  }
0x10b: {  	v2 =	vld [tilespmem:s22+$0xFFFFFEB0]  }
0x10c: {  	v5 =	vld [tilespmem:s22+$0xFFFFFE40];
	[tilespmem:s20+$0x60] =	vst v0  }
0x10d: {  	v0 =	vld.idx.msk [tilespmem:v7+s4+$0x0], $0xffff  }
0x10e: {  	v7 =	vld.idx.msk [tilespmem:v8+s4+$0x0], $0xffff  }
0x10f: {  	v8 =	vld [tilespmem:s22+$0xFFFFFEC0]  }
0x110: {  	v9 =	vld [tilespmem:s22+$0xFFFFFE50]  }
0x111: {  	v10 =	vld [tilespmem:s22+$0xFFFFFED0]  }
0x112: {  	v11 =	vld [tilespmem:s22+$0xFFFFFE60]  }
0x113: {  	v12 =	vld [tilespmem:s22+$0xFFFFFEE0]  }
0x114: {  	v0 =	vmul.f32 v7, v0;
	v13 =	vld [tilespmem:s22+$0xFFFFFE70]  }
0x115: {  	s20 =	sadd.s32 $0x200, s20;
	v7 =	vld [tilespmem:s22+$0xFFFFFEF0]  }
0x116: {  	v14 =	vld [tilespmem:s22+$0xFFFFFE80];
	[tilespmem:s20+$0x70] =	vst v0  }
0x117: {  	v0 =	vld [tilespmem:s22+$0xFFFFFF00]  }
0x118: {  	v15 =	vld [tilespmem:s22+$0xFFFFFF10]  }
0x119: {  	v16 =	vld [tilespmem:s22+$0xFFFFFF90]  }
0x11a: {  	v17 =	vld [tilespmem:s22+$0xFFFFFF20]  }
0x11b: {  	v18 =	vld [tilespmem:s22+$0xFFFFFFA0]  }
0x11c: {  	v19 =	vld [tilespmem:s22+$0xFFFFFF30]  }
0x11d: {  	v20 =	vld [tilespmem:s22+$0xFFFFFFB0]  }
0x11e: {  	v21 =	vld [tilespmem:s22+$0xFFFFFF40]  }
0x11f: {  	v22 =	vld [tilespmem:s22+$0xFFFFFFC0]  }
0x120: {  	v23 =	vld [tilespmem:s22+$0xFFFFFF50]  }
0x121: {  	v24 =	vld [tilespmem:s22+$0xFFFFFFD0]  }
0x122: {  	v25 =	vld [tilespmem:s22+$0xFFFFFF60]  }
0x123: {  	v26 =	vld [tilespmem:s22+$0xFFFFFFE0]  }
0x124: {  	v27 =	vld [tilespmem:s22+$0xFFFFFF70]  }
0x125: {  	v28 =	vld [tilespmem:s22+$0xFFFFFFF0]  }
0x126: {  	v29 =	vld [tilespmem:s22+$0xFFFFFE10]  }
0x127: {  	v3 =	vld.idx.msk [tilespmem:v3+s4+$0x0], $0xffff  }
0x128: {  	v6 =	vld.idx.msk [tilespmem:v6+s4+$0x0], $0xffff  }
0x129: {  	v1 =	vld.idx.msk [tilespmem:v1+s4+$0x0], $0xffff  }
0x12a: {  	v4 =	vld.idx.msk [tilespmem:v4+s4+$0x0], $0xffff  }
0x12b: {  	v2 =	vld.idx.msk [tilespmem:v2+s4+$0x0], $0xffff  }
0x12c: {  	v5 =	vld.idx.msk [tilespmem:v5+s4+$0x0], $0xffff  }
0x12d: {  	v8 =	vld.idx.msk [tilespmem:v8+s4+$0x0], $0xffff  }
0x12e: {  	v29 =	vld.idx.msk [tilespmem:v29+s4+$0x0], $0xffff  }
0x12f: {  	v1 =	vmul.f32 v1, v6;
	v6 =	vld.idx.msk [tilespmem:v9+s4+$0x0], $0xffff  }
0x130: {  	v9 =	vld.idx.msk [tilespmem:v10+s4+$0x0], $0xffff  }
0x131: {  	[tilespmem:s20+$0xFFFFFF10] =	vst v1;
	v1 =	vmul.f32 v2, v4;
	v2 =	vld.idx.msk [tilespmem:v11+s4+$0x0], $0xffff  }
0x132: {  	v4 =	vld.idx.msk [tilespmem:v12+s4+$0x0], $0xffff  }
0x133: {  	[tilespmem:s20+$0xFFFFFF20] =	vst v1;
	v1 =	vmul.f32 v8, v5;
	v5 =	vld.idx.msk [tilespmem:v13+s4+$0x0], $0xffff  }
0x134: {  	v3 =	vmul.f32 v3, v29;
	v7 =	vld.idx.msk [tilespmem:v7+s4+$0x0], $0xffff  }
0x135: {  	[tilespmem:s20+$0xFFFFFF30] =	vst v1;
	v1 =	vld.idx.msk [tilespmem:v14+s4+$0x0], $0xffff  }
0x136: {  	[tilespmem:s20+$0xFFFFFF00] =	vst v3;
	v3 =	vmul.f32 v9, v6;
	v0 =	vld.idx.msk [tilespmem:v0+s4+$0x0], $0xffff  }
0x137: {  	v6 =	vld.idx.msk [tilespmem:v15+s4+$0x0], $0xffff  }
0x138: {  	v2 =	vmul.f32 v4, v2;
	[tilespmem:s20+$0xFFFFFF40] =	vst v3;
	v3 =	vld.idx.msk [tilespmem:v16+s4+$0x0], $0xffff  }
0x139: {  	v4 =	vld.idx.msk [tilespmem:v17+s4+$0x0], $0xffff  }
0x13a: {  	[tilespmem:s20+$0xFFFFFF50] =	vst v2;
	v2 =	vmul.f32 v7, v5;
	v5 =	vld.idx.msk [tilespmem:v18+s4+$0x0], $0xffff  }
0x13b: {  	v7 =	vld.idx.msk [tilespmem:v19+s4+$0x0], $0xffff  }
0x13c: {  	v0 =	vmul.f32 v0, v1;
	[tilespmem:s20+$0xFFFFFF60] =	vst v2;
	v2 =	vld.idx.msk [tilespmem:v20+s4+$0x0], $0xffff  }
0x13d: {  	v8 =	vld.idx.msk [tilespmem:v21+s4+$0x0], $0xffff  }
0x13e: {  	v1 =	vmul.f32 v3, v6;
	[tilespmem:s20+$0xFFFFFF70] =	vst v0;
	v6 =	vld.idx.msk [tilespmem:v22+s4+$0x0], $0xffff  }
0x13f: {  	v0 =	vld.idx.msk [tilespmem:v23+s4+$0x0], $0xffff  }
.Ltmp5:
0x140: {  	v4 =	vmul.f32 v5, v4;
	[tilespmem:s20+$0x0] =	vst v1;
	v3 =	vld.idx.msk [tilespmem:v24+s4+$0x0], $0xffff;
	(pc) =	sbr.rel @p0 .LBB2_11-.Ltmp5, $4  }
0x141: {  	v1 =	vld.idx.msk [tilespmem:v25+s4+$0x0], $0xffff  }
0x142: {  	v5 =	vmul.f32 v2, v7;
	[tilespmem:s20+$0x10] =	vst v4;
	v4 =	vld.idx.msk [tilespmem:v26+s4+$0x0], $0xffff  }
0x143: {  	v2 =	vld.idx.msk [tilespmem:v27+s4+$0x0], $0xffff  }
0x144: {  	s22 =	sadd.s32 $0x200, s22;
	v6 =	vmul.f32 v6, v8;
	[tilespmem:s20+$0x20] =	vst v5;
	v5 =	vld.idx.msk [tilespmem:v28+s4+$0x0], $0xffff  }
0x145: {  	_ =	sdelay $0x1  }
0x146: {  	v0 =	vmul.f32 v3, v0  }
0x147: {  	s19 =	sshll.u32 s19, $0x4;
	[tilespmem:s20+$0x30] =	vst v6;
	v1 =	vmul.f32 v4, v1  }
0x148: {  	s19 =	sand.u32 $0x1FFFFFF0, s19;
	[tilespmem:s20+$0x40] =	vst v0;
	v63 =	vmul.f32 v5, v2  }
0x149: {  	s21 =	simm.s32 $0x1D780;
	s19 =	sadd.s32 s5, s19;
	[tilespmem:s20+$0x50] =	vst v1  }
0x14a: {  	s22 =	simm.s32 $0x1D880;
	s23 =	sadd.s32 $0x0, s19;
	[tilespmem:s20+$0x60] =	vst v63;
	s20 =	simm.s32 $0x10  }
.LBB2_13:
0x14b: {  	[hbm4b:s23+s4] =	stream.linear.scatter [tilespmem:s21], [sflag:$0x4], $0x80, $0x38;
	[tilespmem:$0x1FF00] =	vst v63  }
0x14c: {  	s23 =	smov.u32 s20;
	s21 =	smov.u32 s22;
	p0 =	sne.s32 s20, $0x270  }
.Ltmp6:
0x14d: {  	s20 =	sadd.s32 $0x10, s20;
	(pc) =	sbr.rel @p0 .LBB2_13-.Ltmp6, $2  }
0x14e: {  	_ =	sdelay $0x2  }
0x14f: {  	s22 =	sadd.s32 $0x100, s22;
	s23 =	sadd.s32 s23, s19  }
0x150: {  	s18 =	sadd.s32 $0x1, s18  }
0x151: {  	p0 =	sne.s32 s18, $0x14  }
.Ltmp7:
0x152: {  	_ = 	snop;
	(pc) =	sbr.rel @p0 .LBB2_2-.Ltmp7, $2  }
0x153: {  	_ =	sdelay $0x2  }
0x154: {  	[hbm4b:s23+s4] =	stream.linear.scatter [tilespmem:s21], [sflag:$0x4], $0x80, $0x38;
	[tilespmem:$0x1FF00] =	vst v63  }
0x155: {  	s17 =	sadd.s32 $0x1, s17  }
0x156: {  	_ =	swait.ge [sflag:s16], $0x1400;
	p0 =	sne.s32 s17, s9  }
.Ltmp8:
0x157: {  	[sflag:s16] =	ssyncset.done $0x0;
	(pc) =	sbr.rel @p0 .LBB2_1-.Ltmp8, $4  }
0x158: {  	[sflag:s16] =	ssyncadd.s32 $0xFFFFEC00  }
0x159: {  	_ =	swait.ge [sflag:s15], $0x1400  }
0x15a: {  	[sflag:s15] =	ssyncset.done $0x0  }
0x15b: {  	[sflag:s15] =	ssyncadd.s32 $0xFFFFEC00  }
0x15c: {  	_ =	sfence.sel $0x180000  }
0x15d: {  	[bflag:$0x0] =	sbarrier.arrive $0xFFFF  }
0x15e: {  	p0 =	sne.s32 s0, $0x0;
	_ =	strace $0x90000047  }
0x15f: {  	s0 =	sadd.s32 @!p0 $0x100000, s2;
	[bflag:$0x2] =	sbarrier.arrive $0xFFFF  }
0x160: {  	[sflag:s0] =	ssyncadd.tile.s32 @!p0 $0x1;
	_ =	shalt  }
.Lfunc_end2:
_tile_overlayer_lowered:
.L_overlay_start_2:
0x161: {  	(tag) =	ssettag $0x2  }
0x162: {  	s0 =	rddreg [dreg:$0x0];
	s2 =	stileid.u32  }
0x163: {  	s1 =	rddreg [dreg:$0x1];
	p0 =	sne.s32 s2, $0x0  }
0x164: {  	s3 =	rddreg [dreg:$0x2];
	[bflag:$0x3] =	sbarrier.arrive $0xFFFF;
	s2 =	simm.s32 @!p0 $0x1C05  }
0x165: {  	[timem:s3], [sflag:s2] =	dma.local @!p0 [hbm:s0], s1  }
0x166: {  	s0 =	simm.s32 @!p0 $0x5  }
0x167: {  	_ =	swait.ge @!p0 [sflag:s0], s1  }
0x168: {  	s1 =	ssub.s32 @!p0 $0x0, s1;
	[sflag:s0] =	ssyncset.done @!p0 $0x0  }
0x169: {  	[sflag:s0] =	ssyncadd.s32 @!p0 s1  }
0x16a: {  	[bflag:$0x3] =	sbarrier.arrive $0xFFFF  }
0x16b: {  	_ =	shalt  }

</sc_bundles>
